<compile_context>
chip_gen: v7x
topology: tpu7x:2x2x1
jax: 0.10.2.dev20260603
libtpu: 0.0.44.dev20260713+nightly
codegen_flags: <defaults>
</compile_context>

<pallas_src>
import functools

import jax
import jax.numpy as jnp
from jax import lax
from jax.experimental import pallas as pl
from jax.experimental.pallas import tpu as pltpu
from jax.experimental.pallas import tpu_sc as plsc

B = 16384
T = 100
V = 1024
D = 16

NC = 2
NS = 16
NW = NC * NS
TOT = B * T
R = TOT // NW
C = 1600
NCHUNK = R // C
CB = C // T
L = 16
NBUF = 4
_OFFS = (0, 16, 32, 48, 64, 80, 84)


def _sc_body(leaves_hbm, tables_hbm, out_hbm,
             lv, pat, idx0, idx1, idx2, idx3, rows0, rows1, rows2, rows3,
             gsem0, gsem1, gsem2, gsem3, ssem0, ssem1, ssem2, ssem3):
    c_id = lax.axis_index("c")
    s_id = lax.axis_index("s")
    wid = s_id * NC + c_id
    base = wid * R

    tables_flat = tables_hbm

    idx_bufs = (idx0, idx1, idx2, idx3)
    row_bufs = (rows0, rows1, rows2, rows3)
    gsems = (gsem0, gsem1, gsem2, gsem3)
    ssems = (ssem0, ssem1, ssem2, ssem3)

    for off in _OFFS:
        pat[pl.ds(off, L)] = (off + lax.iota(jnp.int32, L)) * V

    def stage(cix, idx):
        brow0 = pl.multiple_of((base + cix * C) // T, 8)
        pltpu.sync_copy(leaves_hbm.at[pl.ds(brow0, CB), :], lv)

        def rowb(r, _):
            rt = r * T
            for off in _OFFS:
                sl = pl.ds(off, L)
                idx[pl.ds(rt + off, L)] = lv[r, sl] + pat[sl]
            return 0

        lax.fori_loop(0, CB, rowb, 0)

    def fire_gather(b, idx, rows):
        pltpu.async_copy(tables_flat.at[idx], rows, gsems[b])

    def wait_gather(b, idx, rows):
        pltpu.make_async_copy(tables_flat.at[idx], rows, gsems[b]).wait()

    def fire_store(b, cix, rows):
        row0 = pl.multiple_of(base + cix * C, 8)
        pltpu.async_copy(rows, out_hbm.at[pl.ds(row0, C)], ssems[b])

    def wait_store(b, rows):
        pltpu.make_async_copy(rows, out_hbm.at[pl.ds(0, C)], ssems[b]).wait()

    for pb in range(NBUF):
        stage(pb, idx_bufs[pb])
        fire_gather(pb, idx_bufs[pb], row_bufs[pb])

    def pairbody(go, carry):
        del carry
        for b in range(NBUF):
            e = go * NBUF + b
            wait_gather(b, idx_bufs[b], row_bufs[b])
            fire_store(b, e, row_bufs[b])

            @pl.when(e + NBUF < NCHUNK)
            def _refill():
                stage(e + NBUF, idx_bufs[b])
                wait_store(b, row_bufs[b])
                fire_gather(b, idx_bufs[b], row_bufs[b])

        return 0

    lax.fori_loop(0, NCHUNK // NBUF, pairbody, 0)
    for b in range(NBUF):
        wait_store(b, row_bufs[b])


def _sc_gather(leaves, tables):
    mesh = plsc.VectorSubcoreMesh(core_axis_name="c", subcore_axis_name="s")
    k = functools.partial(
        pl.kernel,
        mesh=mesh,
        out_type=jax.ShapeDtypeStruct((TOT, D), jnp.float32),
        scratch_types=[
            pltpu.VMEM((CB, T), jnp.int32),
            pltpu.VMEM((T,), jnp.int32),
            pltpu.VMEM((C,), jnp.int32),
            pltpu.VMEM((C,), jnp.int32),
            pltpu.VMEM((C,), jnp.int32),
            pltpu.VMEM((C,), jnp.int32),
            pltpu.VMEM((C, D), jnp.float32),
            pltpu.VMEM((C, D), jnp.float32),
            pltpu.VMEM((C, D), jnp.float32),
            pltpu.VMEM((C, D), jnp.float32),
            pltpu.SemaphoreType.DMA,
            pltpu.SemaphoreType.DMA,
            pltpu.SemaphoreType.DMA,
            pltpu.SemaphoreType.DMA,
            pltpu.SemaphoreType.DMA,
            pltpu.SemaphoreType.DMA,
            pltpu.SemaphoreType.DMA,
            pltpu.SemaphoreType.DMA,
        ],
        compiler_params=pltpu.CompilerParams(use_tc_tiling_on_sc=False),
    )(_sc_body)
    return k(leaves, tables)


def kernel(leaves, tables):
    out = _sc_gather(leaves, tables.reshape(T * V, D))
    return out.reshape(B, T * D)

# --- scband reference (transcript-rebuilt; emitter-appended) ---
"""Pipeline reference for scband-leaf-embedder-17952963297682 (READ-ONLY COPY).

The authoritative reference and input builder live on the scoring server;
editing this copy changes nothing except your own understanding.
"""

import jax, jax.numpy as jnp
import numpy as np

N_TREES = 100
NUM_LEAVES = 1024
EMB_DIM = 16
BATCH = 16384


def setup_inputs(seed: int = 0) -> dict:
    key = jax.random.key(seed)
    k1, k2 = jax.random.split(key)
    leaves = jax.random.randint(k1, (BATCH, N_TREES), 0, NUM_LEAVES, dtype=jnp.int32)
    # xavier_uniform init per table: limit = sqrt(6 / (fan_in + fan_out))
    limit = float(np.sqrt(6.0 / (NUM_LEAVES + EMB_DIM)))
    tables = jax.random.uniform(k2, (N_TREES, NUM_LEAVES, EMB_DIM), dtype=jnp.float32, minval=-limit, maxval=limit)
    return {"leaves": leaves, "tables": tables}


def reference(leaves, tables):
    # Original: zs = [tables[t](leaves[:, t]) for t in range(n_trees)]; cat(zs, -1)
    # Vectorized equivalent: for each (b, t), gather tables[t, leaves[b, t]] -> [B, T, D]
    T = tables.shape[0]
    B = leaves.shape[0]
    t_idx = jnp.arange(T)[None, :]  # [1, T]
    gathered = tables[t_idx, leaves]  # advanced indexing -> [B, T, D]
    # reshape([B, T*D]) is exactly concat of per-tree embeddings along last dim
    return gathered.reshape(B, T * tables.shape[2])

if __name__ == "__main__":
    import jax
    _d = setup_inputs()
    print(jax.jit(kernel)(*tuple(_d.values())))

</pallas_src>

<mosaic_0001>
#map = affine_map<(d0, d1) -> (0, 0)>
module attributes {stable_mosaic.version = 14 : i64} {
  func.func @_sc_body(%arg0: i32, %arg1: i32, %arg2: memref<16384x100xi32, #tpu.memory_space<hbm>>, %arg3: memref<102400x16xf32, #tpu.memory_space<hbm>>, %arg4: memref<1638400x16xf32, #tpu.memory_space<hbm>>, %arg5: memref<16x100xi32, #tpu.memory_space<vmem>>, %arg6: memref<100xi32, #tpu.memory_space<vmem>>, %arg7: memref<1600xi32, #tpu.memory_space<vmem>>, %arg8: memref<1600xi32, #tpu.memory_space<vmem>>, %arg9: memref<1600xi32, #tpu.memory_space<vmem>>, %arg10: memref<1600xi32, #tpu.memory_space<vmem>>, %arg11: memref<1600x16xf32, #tpu.memory_space<vmem>>, %arg12: memref<1600x16xf32, #tpu.memory_space<vmem>>, %arg13: memref<1600x16xf32, #tpu.memory_space<vmem>>, %arg14: memref<1600x16xf32, #tpu.memory_space<vmem>>, %arg15: memref<!tpu.dma_semaphore, #tpu.memory_space<semaphore_mem>>, %arg16: memref<!tpu.dma_semaphore, #tpu.memory_space<semaphore_mem>>, %arg17: memref<!tpu.dma_semaphore, #tpu.memory_space<semaphore_mem>>, %arg18: memref<!tpu.dma_semaphore, #tpu.memory_space<semaphore_mem>>, %arg19: memref<!tpu.dma_semaphore, #tpu.memory_space<semaphore_mem>>, %arg20: memref<!tpu.dma_semaphore, #tpu.memory_space<semaphore_mem>>, %arg21: memref<!tpu.dma_semaphore, #tpu.memory_space<semaphore_mem>>, %arg22: memref<!tpu.dma_semaphore, #tpu.memory_space<semaphore_mem>>) attributes {dimension_semantics = [#tpu.dimension_semantics<core_parallel>, #tpu.dimension_semantics<subcore_parallel>], iteration_bounds = array<i64: 2, 16>, scalar_prefetch = 0 : i64, scratch_operands = 18 : i64, tpu.core_type = #tpu.core_type<sc_vector_subcore>, window_params = [{transform_indices = #map}, {transform_indices = #map}, {transform_indices = #map}]} {
    %mul3A = arith.constant 2 : i32
    %mul3A_0 = arith.muli %arg1, %mul3A : i32
    %add3A = arith.addi %mul3A_0, %arg0 : i32
    %mul3A_1 = arith.constant 51200 : i32
    %mul3A_2 = arith.muli %add3A, %mul3A_1 : i32
    %iota3A = tpu.iota {dimensions = array<i32: 0>} : vector<16xi32>
    %add3A_3 = arith.constant 0 : i32
    %add3A_4 = vector.broadcast %add3A_3 : i32 to vector<16xi32>
    %add3A_5 = arith.addi %add3A_4, %iota3A : vector<16xi32>
    %mul3A_6 = arith.constant 1024 : i32
    %mul3A_7 = vector.broadcast %mul3A_6 : i32 to vector<16xi32>
    %mul3A_8 = arith.muli %add3A_5, %mul3A_7 : vector<16xi32>
    %swap3A = arith.constant 0 : index
    %swap3A_9 = tpu.vector_load %arg6[%swap3A] {strides = array<i32>} : memref<100xi32, #tpu.memory_space<vmem>>, vector<16xi32>,
    %swap3A_10 = vector.shape_cast %swap3A_9 : vector<16xi32> to vector<16xi32>
    %swap3A_11 = vector.shape_cast %mul3A_8 : vector<16xi32> to vector<16xi32>
    tpu.vector_store %arg6[%swap3A], %swap3A_11 {strides = array<i32>} : memref<100xi32, #tpu.memory_space<vmem>>, vector<16xi32>,
    %iota3A_12 = tpu.iota {dimensions = array<i32: 0>} : vector<16xi32>
    %add3A_13 = arith.constant 16 : i32
    %add3A_14 = vector.broadcast %add3A_13 : i32 to vector<16xi32>
    %add3A_15 = arith.addi %add3A_14, %iota3A_12 : vector<16xi32>
    %mul3A_16 = arith.constant 1024 : i32
    %mul3A_17 = vector.broadcast %mul3A_16 : i32 to vector<16xi32>
    %mul3A_18 = arith.muli %add3A_15, %mul3A_17 : vector<16xi32>
    %swap3A_19 = arith.constant 16 : index
    %swap3A_20 = tpu.vector_load %arg6[%swap3A_19] {strides = array<i32>} : memref<100xi32, #tpu.memory_space<vmem>>, vector<16xi32>,
    %swap3A_21 = vector.shape_cast %swap3A_20 : vector<16xi32> to vector<16xi32>
    %swap3A_22 = vector.shape_cast %mul3A_18 : vector<16xi32> to vector<16xi32>
    tpu.vector_store %arg6[%swap3A_19], %swap3A_22 {strides = array<i32>} : memref<100xi32, #tpu.memory_space<vmem>>, vector<16xi32>,
    %iota3A_23 = tpu.iota {dimensions = array<i32: 0>} : vector<16xi32>
    %add3A_24 = arith.constant 32 : i32
    %add3A_25 = vector.broadcast %add3A_24 : i32 to vector<16xi32>
    %add3A_26 = arith.addi %add3A_25, %iota3A_23 : vector<16xi32>
    %mul3A_27 = arith.constant 1024 : i32
    %mul3A_28 = vector.broadcast %mul3A_27 : i32 to vector<16xi32>
    %mul3A_29 = arith.muli %add3A_26, %mul3A_28 : vector<16xi32>
    %swap3A_30 = arith.constant 32 : index
    %swap3A_31 = tpu.vector_load %arg6[%swap3A_30] {strides = array<i32>} : memref<100xi32, #tpu.memory_space<vmem>>, vector<16xi32>,
    %swap3A_32 = vector.shape_cast %swap3A_31 : vector<16xi32> to vector<16xi32>
    %swap3A_33 = vector.shape_cast %mul3A_29 : vector<16xi32> to vector<16xi32>
    tpu.vector_store %arg6[%swap3A_30], %swap3A_33 {strides = array<i32>} : memref<100xi32, #tpu.memory_space<vmem>>, vector<16xi32>,
    %iota3A_34 = tpu.iota {dimensions = array<i32: 0>} : vector<16xi32>
    %add3A_35 = arith.constant 48 : i32
    %add3A_36 = vector.broadcast %add3A_35 : i32 to vector<16xi32>
    %add3A_37 = arith.addi %add3A_36, %iota3A_34 : vector<16xi32>
    %mul3A_38 = arith.constant 1024 : i32
    %mul3A_39 = vector.broadcast %mul3A_38 : i32 to vector<16xi32>
    %mul3A_40 = arith.muli %add3A_37, %mul3A_39 : vector<16xi32>
    %swap3A_41 = arith.constant 48 : index
    %swap3A_42 = tpu.vector_load %arg6[%swap3A_41] {strides = array<i32>} : memref<100xi32, #tpu.memory_space<vmem>>, vector<16xi32>,
    %swap3A_43 = vector.shape_cast %swap3A_42 : vector<16xi32> to vector<16xi32>
    %swap3A_44 = vector.shape_cast %mul3A_40 : vector<16xi32> to vector<16xi32>
    tpu.vector_store %arg6[%swap3A_41], %swap3A_44 {strides = array<i32>} : memref<100xi32, #tpu.memory_space<vmem>>, vector<16xi32>,
    %iota3A_45 = tpu.iota {dimensions = array<i32: 0>} : vector<16xi32>
    %add3A_46 = arith.constant 64 : i32
    %add3A_47 = vector.broadcast %add3A_46 : i32 to vector<16xi32>
    %add3A_48 = arith.addi %add3A_47, %iota3A_45 : vector<16xi32>
    %mul3A_49 = arith.constant 1024 : i32
    %mul3A_50 = vector.broadcast %mul3A_49 : i32 to vector<16xi32>
    %mul3A_51 = arith.muli %add3A_48, %mul3A_50 : vector<16xi32>
    %swap3A_52 = arith.constant 64 : index
    %swap3A_53 = tpu.vector_load %arg6[%swap3A_52] {strides = array<i32>} : memref<100xi32, #tpu.memory_space<vmem>>, vector<16xi32>,
    %swap3A_54 = vector.shape_cast %swap3A_53 : vector<16xi32> to vector<16xi32>
    %swap3A_55 = vector.shape_cast %mul3A_51 : vector<16xi32> to vector<16xi32>
    tpu.vector_store %arg6[%swap3A_52], %swap3A_55 {strides = array<i32>} : memref<100xi32, #tpu.memory_space<vmem>>, vector<16xi32>,
    %iota3A_56 = tpu.iota {dimensions = array<i32: 0>} : vector<16xi32>
    %add3A_57 = arith.constant 80 : i32
    %add3A_58 = vector.broadcast %add3A_57 : i32 to vector<16xi32>
    %add3A_59 = arith.addi %add3A_58, %iota3A_56 : vector<16xi32>
    %mul3A_60 = arith.constant 1024 : i32
    %mul3A_61 = vector.broadcast %mul3A_60 : i32 to vector<16xi32>
    %mul3A_62 = arith.muli %add3A_59, %mul3A_61 : vector<16xi32>
    %swap3A_63 = arith.constant 80 : index
    %swap3A_64 = tpu.vector_load %arg6[%swap3A_63] {strides = array<i32>} : memref<100xi32, #tpu.memory_space<vmem>>, vector<16xi32>,
    %swap3A_65 = vector.shape_cast %swap3A_64 : vector<16xi32> to vector<16xi32>
    %swap3A_66 = vector.shape_cast %mul3A_62 : vector<16xi32> to vector<16xi32>
    tpu.vector_store %arg6[%swap3A_63], %swap3A_66 {strides = array<i32>} : memref<100xi32, #tpu.memory_space<vmem>>, vector<16xi32>,
    %iota3A_67 = tpu.iota {dimensions = array<i32: 0>} : vector<16xi32>
    %add3A_68 = arith.constant 84 : i32
    %add3A_69 = vector.broadcast %add3A_68 : i32 to vector<16xi32>
    %add3A_70 = arith.addi %add3A_69, %iota3A_67 : vector<16xi32>
    %mul3A_71 = arith.constant 1024 : i32
    %mul3A_72 = vector.broadcast %mul3A_71 : i32 to vector<16xi32>
    %mul3A_73 = arith.muli %add3A_70, %mul3A_72 : vector<16xi32>
    %swap3A_74 = arith.constant 84 : index
    %swap3A_75 = tpu.vector_load %arg6[%swap3A_74] {strides = array<i32>} : memref<100xi32, #tpu.memory_space<vmem>>, vector<16xi32>,
    %swap3A_76 = vector.shape_cast %swap3A_75 : vector<16xi32> to vector<16xi32>
    %swap3A_77 = vector.shape_cast %mul3A_73 : vector<16xi32> to vector<16xi32>
    tpu.vector_store %arg6[%swap3A_74], %swap3A_77 {strides = array<i32>} : memref<100xi32, #tpu.memory_space<vmem>>, vector<16xi32>,
    %add3A_78 = arith.constant 0 : i32
    %add3A_79 = arith.addi %mul3A_2, %add3A_78 : i32
    %jit3A = arith.constant 100 : i32
    %div3A = arith.divsi %add3A_79, %jit3A : i32
    %sign3A = arith.constant 0 : i32
    %sign3A_80 = arith.cmpi sgt, %add3A_79, %sign3A : i32
    %sign3A_81 = arith.extui %sign3A_80 : i1 to i32
    %sign3A_82 = arith.constant 0 : i32
    %sign3A_83 = arith.cmpi slt, %add3A_79, %sign3A_82 : i32
    %sign3A_84 = arith.extui %sign3A_83 : i1 to i32
    %sign3A_85 = arith.subi %sign3A_81, %sign3A_84 : i32
    %sign3A_86 = arith.constant 0 : i32
    %sign3A_87 = arith.cmpi sgt, %jit3A, %sign3A_86 : i32
    %sign3A_88 = arith.extui %sign3A_87 : i1 to i32
    %sign3A_89 = arith.constant 0 : i32
    %sign3A_90 = arith.cmpi slt, %jit3A, %sign3A_89 : i32
    %sign3A_91 = arith.extui %sign3A_90 : i1 to i32
    %sign3A_92 = arith.subi %sign3A_88, %sign3A_91 : i32
    %ne3A = arith.cmpi ne, %sign3A_85, %sign3A_92 : i32
    %rem3A = arith.remsi %add3A_79, %jit3A : i32
    %ne3A_93 = arith.constant 0 : i32
    %ne3A_94 = arith.cmpi ne, %rem3A, %ne3A_93 : i32
    %and3A = arith.andi %ne3A, %ne3A_94 : i1
    %sub3A = arith.constant 1 : i32
    %sub3A_95 = arith.subi %div3A, %sub3A : i32
    %select_n3A = arith.select %and3A, %sub3A_95, %div3A : i32
    %multiple_of3A = tpu.assume_multiple %select_n3A, 8 : i32
    "tpu.region"() ({
      %run_scoped3A = tpu.sem_alloc : memref<!tpu.dma_semaphore, #tpu.memory_space<semaphore_mem>>
      %dma_start3A_245 = arith.constant 0 : i32
      %dma_start3A_246 = tpu.memref_slice %arg2[%multiple_of3A, %dma_start3A_245] : memref<16384x100xi32, #tpu.memory_space<hbm>> -> memref<16x100xi32, #tpu.memory_space<hbm>>
      %dma_start3A_247 = arith.constant 0 : i32
      %dma_start3A_248 = tpu.memref_slice %arg2[%multiple_of3A, %dma_start3A_247] : memref<16384x100xi32, #tpu.memory_space<hbm>> -> memref<16x100xi32, #tpu.memory_space<hbm>>
      tpu.enqueue_dma source(%dma_start3A_248 : memref<16x100xi32, #tpu.memory_space<hbm>>) target(%arg5 : memref<16x100xi32, #tpu.memory_space<vmem>>) target_semaphore(%run_scoped3A : memref<!tpu.dma_semaphore, #tpu.memory_space<semaphore_mem>>)
      %dma_wait3A_249 = arith.constant 0 : i32
      %dma_wait3A_250 = tpu.memref_slice %arg2[%multiple_of3A, %dma_wait3A_249] : memref<16384x100xi32, #tpu.memory_space<hbm>> -> memref<16x100xi32, #tpu.memory_space<hbm>>
      %dma_wait3A_251 = arith.constant 0 : i32
      %dma_wait3A_252 = tpu.memref_slice %arg2[%multiple_of3A, %dma_wait3A_251] : memref<16384x100xi32, #tpu.memory_space<hbm>> -> memref<16x100xi32, #tpu.memory_space<hbm>>
      tpu.wait_dma2 semaphore(%run_scoped3A : memref<!tpu.dma_semaphore, #tpu.memory_space<semaphore_mem>>) src(%dma_wait3A_252 : memref<16x100xi32, #tpu.memory_space<hbm>>) dst(%arg5 : memref<16x100xi32, #tpu.memory_space<vmem>>)
      tpu.yield
    }) : () -> ()
    %scan3A = arith.constant 0 : i32
    %scan3A_96 = arith.constant 0 : i32
    %scan3A_97 = arith.constant 16 : i32
    %scan3A_98 = arith.addi %scan3A_96, %scan3A_97 : i32
    %scan3A_99 = arith.constant 1 : i32
    %scan3A_100 = scf.for %scan3A_245 = %scan3A_96 to %scan3A_98 step %scan3A_99 iter_args(%scan3A_246 = %scan3A) -> (i32)  : i32 {
      %mul3A_247 = arith.constant 100 : i32
      %mul3A_248 = arith.muli %scan3A_245, %mul3A_247 : i32
      %get3A = arith.index_cast %scan3A_245 : i32 to index
      %get3A_249 = arith.constant 0 : index
      %get3A_250 = tpu.vector_load %arg5[%get3A, %get3A_249] {strides = array<i32>} : memref<16x100xi32, #tpu.memory_space<vmem>>, vector<1x16xi32>,
      %get3A_251 = vector.shape_cast %get3A_250 : vector<1x16xi32> to vector<16xi32>
      %get3A_252 = arith.constant 0 : index
      %get3A_253 = tpu.vector_load %arg6[%get3A_252] {strides = array<i32>} : memref<100xi32, #tpu.memory_space<vmem>>, vector<16xi32>,
      %get3A_254 = vector.shape_cast %get3A_253 : vector<16xi32> to vector<16xi32>
      %add3A_255 = arith.addi %get3A_251, %get3A_254 : vector<16xi32>
      %add3A_256 = arith.constant 0 : i32
      %add3A_257 = arith.addi %mul3A_248, %add3A_256 : i32
      %swap3A_258 = arith.index_cast %add3A_257 : i32 to index
      %swap3A_259 = tpu.vector_load %arg7[%swap3A_258] {strides = array<i32>} : memref<1600xi32, #tpu.memory_space<vmem>>, vector<16xi32>,
      %swap3A_260 = vector.shape_cast %swap3A_259 : vector<16xi32> to vector<16xi32>
      %swap3A_261 = vector.shape_cast %add3A_255 : vector<16xi32> to vector<16xi32>
      tpu.vector_store %arg7[%swap3A_258], %swap3A_261 {strides = array<i32>} : memref<1600xi32, #tpu.memory_space<vmem>>, vector<16xi32>,
      %get3A_262 = arith.index_cast %scan3A_245 : i32 to index
      %get3A_263 = arith.constant 16 : index
      %get3A_264 = tpu.vector_load %arg5[%get3A_262, %get3A_263] {strides = array<i32>} : memref<16x100xi32, #tpu.memory_space<vmem>>, vector<1x16xi32>,
      %get3A_265 = vector.shape_cast %get3A_264 : vector<1x16xi32> to vector<16xi32>
      %get3A_266 = arith.constant 16 : index
      %get3A_267 = tpu.vector_load %arg6[%get3A_266] {strides = array<i32>} : memref<100xi32, #tpu.memory_space<vmem>>, vector<16xi32>,
      %get3A_268 = vector.shape_cast %get3A_267 : vector<16xi32> to vector<16xi32>
      %add3A_269 = arith.addi %get3A_265, %get3A_268 : vector<16xi32>
      %add3A_270 = arith.constant 16 : i32
      %add3A_271 = arith.addi %mul3A_248, %add3A_270 : i32
      %swap3A_272 = arith.index_cast %add3A_271 : i32 to index
      %swap3A_273 = tpu.vector_load %arg7[%swap3A_272] {strides = array<i32>} : memref<1600xi32, #tpu.memory_space<vmem>>, vector<16xi32>,
      %swap3A_274 = vector.shape_cast %swap3A_273 : vector<16xi32> to vector<16xi32>
      %swap3A_275 = vector.shape_cast %add3A_269 : vector<16xi32> to vector<16xi32>
      tpu.vector_store %arg7[%swap3A_272], %swap3A_275 {strides = array<i32>} : memref<1600xi32, #tpu.memory_space<vmem>>, vector<16xi32>,
      %get3A_276 = arith.index_cast %scan3A_245 : i32 to index
      %get3A_277 = arith.constant 32 : index
      %get3A_278 = tpu.vector_load %arg5[%get3A_276, %get3A_277] {strides = array<i32>} : memref<16x100xi32, #tpu.memory_space<vmem>>, vector<1x16xi32>,
      %get3A_279 = vector.shape_cast %get3A_278 : vector<1x16xi32> to vector<16xi32>
      %get3A_280 = arith.constant 32 : index
      %get3A_281 = tpu.vector_load %arg6[%get3A_280] {strides = array<i32>} : memref<100xi32, #tpu.memory_space<vmem>>, vector<16xi32>,
      %get3A_282 = vector.shape_cast %get3A_281 : vector<16xi32> to vector<16xi32>
      %add3A_283 = arith.addi %get3A_279, %get3A_282 : vector<16xi32>
      %add3A_284 = arith.constant 32 : i32
      %add3A_285 = arith.addi %mul3A_248, %add3A_284 : i32
      %swap3A_286 = arith.index_cast %add3A_285 : i32 to index
      %swap3A_287 = tpu.vector_load %arg7[%swap3A_286] {strides = array<i32>} : memref<1600xi32, #tpu.memory_space<vmem>>, vector<16xi32>,
      %swap3A_288 = vector.shape_cast %swap3A_287 : vector<16xi32> to vector<16xi32>
      %swap3A_289 = vector.shape_cast %add3A_283 : vector<16xi32> to vector<16xi32>
      tpu.vector_store %arg7[%swap3A_286], %swap3A_289 {strides = array<i32>} : memref<1600xi32, #tpu.memory_space<vmem>>, vector<16xi32>,
      %get3A_290 = arith.index_cast %scan3A_245 : i32 to index
      %get3A_291 = arith.constant 48 : index
      %get3A_292 = tpu.vector_load %arg5[%get3A_290, %get3A_291] {strides = array<i32>} : memref<16x100xi32, #tpu.memory_space<vmem>>, vector<1x16xi32>,
      %get3A_293 = vector.shape_cast %get3A_292 : vector<1x16xi32> to vector<16xi32>
      %get3A_294 = arith.constant 48 : index
      %get3A_295 = tpu.vector_load %arg6[%get3A_294] {strides = array<i32>} : memref<100xi32, #tpu.memory_space<vmem>>, vector<16xi32>,
      %get3A_296 = vector.shape_cast %get3A_295 : vector<16xi32> to vector<16xi32>
      %add3A_297 = arith.addi %get3A_293, %get3A_296 : vector<16xi32>
      %add3A_298 = arith.constant 48 : i32
      %add3A_299 = arith.addi %mul3A_248, %add3A_298 : i32
      %swap3A_300 = arith.index_cast %add3A_299 : i32 to index
      %swap3A_301 = tpu.vector_load %arg7[%swap3A_300] {strides = array<i32>} : memref<1600xi32, #tpu.memory_space<vmem>>, vector<16xi32>,
      %swap3A_302 = vector.shape_cast %swap3A_301 : vector<16xi32> to vector<16xi32>
      %swap3A_303 = vector.shape_cast %add3A_297 : vector<16xi32> to vector<16xi32>
      tpu.vector_store %arg7[%swap3A_300], %swap3A_303 {strides = array<i32>} : memref<1600xi32, #tpu.memory_space<vmem>>, vector<16xi32>,
      %get3A_304 = arith.index_cast %scan3A_245 : i32 to index
      %get3A_305 = arith.constant 64 : index
      %get3A_306 = tpu.vector_load %arg5[%get3A_304, %get3A_305] {strides = array<i32>} : memref<16x100xi32, #tpu.memory_space<vmem>>, vector<1x16xi32>,
      %get3A_307 = vector.shape_cast %get3A_306 : vector<1x16xi32> to vector<16xi32>
      %get3A_308 = arith.constant 64 : index
      %get3A_309 = tpu.vector_load %arg6[%get3A_308] {strides = array<i32>} : memref<100xi32, #tpu.memory_space<vmem>>, vector<16xi32>,
      %get3A_310 = vector.shape_cast %get3A_309 : vector<16xi32> to vector<16xi32>
      %add3A_311 = arith.addi %get3A_307, %get3A_310 : vector<16xi32>
      %add3A_312 = arith.constant 64 : i32
      %add3A_313 = arith.addi %mul3A_248, %add3A_312 : i32
      %swap3A_314 = arith.index_cast %add3A_313 : i32 to index
      %swap3A_315 = tpu.vector_load %arg7[%swap3A_314] {strides = array<i32>} : memref<1600xi32, #tpu.memory_space<vmem>>, vector<16xi32>,
      %swap3A_316 = vector.shape_cast %swap3A_315 : vector<16xi32> to vector<16xi32>
      %swap3A_317 = vector.shape_cast %add3A_311 : vector<16xi32> to vector<16xi32>
      tpu.vector_store %arg7[%swap3A_314], %swap3A_317 {strides = array<i32>} : memref<1600xi32, #tpu.memory_space<vmem>>, vector<16xi32>,
      %get3A_318 = arith.index_cast %scan3A_245 : i32 to index
      %get3A_319 = arith.constant 80 : index
      %get3A_320 = tpu.vector_load %arg5[%get3A_318, %get3A_319] {strides = array<i32>} : memref<16x100xi32, #tpu.memory_space<vmem>>, vector<1x16xi32>,
      %get3A_321 = vector.shape_cast %get3A_320 : vector<1x16xi32> to vector<16xi32>
      %get3A_322 = arith.constant 80 : index
      %get3A_323 = tpu.vector_load %arg6[%get3A_322] {strides = array<i32>} : memref<100xi32, #tpu.memory_space<vmem>>, vector<16xi32>,
      %get3A_324 = vector.shape_cast %get3A_323 : vector<16xi32> to vector<16xi32>
      %add3A_325 = arith.addi %get3A_321, %get3A_324 : vector<16xi32>
      %add3A_326 = arith.constant 80 : i32
      %add3A_327 = arith.addi %mul3A_248, %add3A_326 : i32
      %swap3A_328 = arith.index_cast %add3A_327 : i32 to index
      %swap3A_329 = tpu.vector_load %arg7[%swap3A_328] {strides = array<i32>} : memref<1600xi32, #tpu.memory_space<vmem>>, vector<16xi32>,
      %swap3A_330 = vector.shape_cast %swap3A_329 : vector<16xi32> to vector<16xi32>
      %swap3A_331 = vector.shape_cast %add3A_325 : vector<16xi32> to vector<16xi32>
      tpu.vector_store %arg7[%swap3A_328], %swap3A_331 {strides = array<i32>} : memref<1600xi32, #tpu.memory_space<vmem>>, vector<16xi32>,
      %get3A_332 = arith.index_cast %scan3A_245 : i32 to index
      %get3A_333 = arith.constant 84 : index
      %get3A_334 = tpu.vector_load %arg5[%get3A_332, %get3A_333] {strides = array<i32>} : memref<16x100xi32, #tpu.memory_space<vmem>>, vector<1x16xi32>,
      %get3A_335 = vector.shape_cast %get3A_334 : vector<1x16xi32> to vector<16xi32>
      %get3A_336 = arith.constant 84 : index
      %get3A_337 = tpu.vector_load %arg6[%get3A_336] {strides = array<i32>} : memref<100xi32, #tpu.memory_space<vmem>>, vector<16xi32>,
      %get3A_338 = vector.shape_cast %get3A_337 : vector<16xi32> to vector<16xi32>
      %add3A_339 = arith.addi %get3A_335, %get3A_338 : vector<16xi32>
      %add3A_340 = arith.constant 84 : i32
      %add3A_341 = arith.addi %mul3A_248, %add3A_340 : i32
      %swap3A_342 = arith.index_cast %add3A_341 : i32 to index
      %swap3A_343 = tpu.vector_load %arg7[%swap3A_342] {strides = array<i32>} : memref<1600xi32, #tpu.memory_space<vmem>>, vector<16xi32>,
      %swap3A_344 = vector.shape_cast %swap3A_343 : vector<16xi32> to vector<16xi32>
      %swap3A_345 = vector.shape_cast %add3A_339 : vector<16xi32> to vector<16xi32>
      tpu.vector_store %arg7[%swap3A_342], %swap3A_345 {strides = array<i32>} : memref<1600xi32, #tpu.memory_space<vmem>>, vector<16xi32>,
      %scan3A_346 = arith.constant 0 : i32
      scf.yield %scan3A_346 : i32
    }
    %scan3A_101 = arith.constant 16 : i32
    %dma_start3A = arith.constant 0 : i32
    %dma_start3A_102 = arith.constant 0 : i32
    %dma_start3A_103 = tpu.memref_slice %arg3[%dma_start3A, %dma_start3A_102] : memref<102400x16xf32, #tpu.memory_space<hbm>> -> memref<102400x16xf32, #tpu.memory_space<hbm>>
    tpu.enqueue_indirect_dma source(%dma_start3A_103 : memref<102400x16xf32, #tpu.memory_space<hbm>>) target(%arg11 : memref<1600x16xf32, #tpu.memory_space<vmem>>) offsets(%arg7 : memref<1600xi32, #tpu.memory_space<vmem>>) semaphore(%arg15 : memref<!tpu.dma_semaphore, #tpu.memory_space<semaphore_mem>>)
    %add3A_104 = arith.constant 1600 : i32
    %add3A_105 = arith.addi %mul3A_2, %add3A_104 : i32
    %jit3A_106 = arith.constant 100 : i32
    %div3A_107 = arith.divsi %add3A_105, %jit3A_106 : i32
    %sign3A_108 = arith.constant 0 : i32
    %sign3A_109 = arith.cmpi sgt, %add3A_105, %sign3A_108 : i32
    %sign3A_110 = arith.extui %sign3A_109 : i1 to i32
    %sign3A_111 = arith.constant 0 : i32
    %sign3A_112 = arith.cmpi slt, %add3A_105, %sign3A_111 : i32
    %sign3A_113 = arith.extui %sign3A_112 : i1 to i32
    %sign3A_114 = arith.subi %sign3A_110, %sign3A_113 : i32
    %sign3A_115 = arith.constant 0 : i32
    %sign3A_116 = arith.cmpi sgt, %jit3A_106, %sign3A_115 : i32
    %sign3A_117 = arith.extui %sign3A_116 : i1 to i32
    %sign3A_118 = arith.constant 0 : i32
    %sign3A_119 = arith.cmpi slt, %jit3A_106, %sign3A_118 : i32
    %sign3A_120 = arith.extui %sign3A_119 : i1 to i32
    %sign3A_121 = arith.subi %sign3A_117, %sign3A_120 : i32
    %ne3A_122 = arith.cmpi ne, %sign3A_114, %sign3A_121 : i32
    %rem3A_123 = arith.remsi %add3A_105, %jit3A_106 : i32
    %ne3A_124 = arith.constant 0 : i32
    %ne3A_125 = arith.cmpi ne, %rem3A_123, %ne3A_124 : i32
    %and3A_126 = arith.andi %ne3A_122, %ne3A_125 : i1
    %sub3A_127 = arith.constant 1 : i32
    %sub3A_128 = arith.subi %div3A_107, %sub3A_127 : i32
    %select_n3A_129 = arith.select %and3A_126, %sub3A_128, %div3A_107 : i32
    %multiple_of3A_130 = tpu.assume_multiple %select_n3A_129, 8 : i32
    "tpu.region"() ({
      %run_scoped3A = tpu.sem_alloc : memref<!tpu.dma_semaphore, #tpu.memory_space<semaphore_mem>>
      %dma_start3A_245 = arith.constant 0 : i32
      %dma_start3A_246 = tpu.memref_slice %arg2[%multiple_of3A_130, %dma_start3A_245] : memref<16384x100xi32, #tpu.memory_space<hbm>> -> memref<16x100xi32, #tpu.memory_space<hbm>>
      %dma_start3A_247 = arith.constant 0 : i32
      %dma_start3A_248 = tpu.memref_slice %arg2[%multiple_of3A_130, %dma_start3A_247] : memref<16384x100xi32, #tpu.memory_space<hbm>> -> memref<16x100xi32, #tpu.memory_space<hbm>>
      tpu.enqueue_dma source(%dma_start3A_248 : memref<16x100xi32, #tpu.memory_space<hbm>>) target(%arg5 : memref<16x100xi32, #tpu.memory_space<vmem>>) target_semaphore(%run_scoped3A : memref<!tpu.dma_semaphore, #tpu.memory_space<semaphore_mem>>)
      %dma_wait3A_249 = arith.constant 0 : i32
      %dma_wait3A_250 = tpu.memref_slice %arg2[%multiple_of3A_130, %dma_wait3A_249] : memref<16384x100xi32, #tpu.memory_space<hbm>> -> memref<16x100xi32, #tpu.memory_space<hbm>>
      %dma_wait3A_251 = arith.constant 0 : i32
      %dma_wait3A_252 = tpu.memref_slice %arg2[%multiple_of3A_130, %dma_wait3A_251] : memref<16384x100xi32, #tpu.memory_space<hbm>> -> memref<16x100xi32, #tpu.memory_space<hbm>>
      tpu.wait_dma2 semaphore(%run_scoped3A : memref<!tpu.dma_semaphore, #tpu.memory_space<semaphore_mem>>) src(%dma_wait3A_252 : memref<16x100xi32, #tpu.memory_space<hbm>>) dst(%arg5 : memref<16x100xi32, #tpu.memory_space<vmem>>)
      tpu.yield
    }) : () -> ()
    %scan3A_131 = arith.constant 0 : i32
    %scan3A_132 = arith.constant 0 : i32
    %scan3A_133 = arith.constant 16 : i32
    %scan3A_134 = arith.addi %scan3A_132, %scan3A_133 : i32
    %scan3A_135 = arith.constant 1 : i32
    %scan3A_136 = scf.for %scan3A_245 = %scan3A_132 to %scan3A_134 step %scan3A_135 iter_args(%scan3A_246 = %scan3A_131) -> (i32)  : i32 {
      %mul3A_247 = arith.constant 100 : i32
      %mul3A_248 = arith.muli %scan3A_245, %mul3A_247 : i32
      %get3A = arith.index_cast %scan3A_245 : i32 to index
      %get3A_249 = arith.constant 0 : index
      %get3A_250 = tpu.vector_load %arg5[%get3A, %get3A_249] {strides = array<i32>} : memref<16x100xi32, #tpu.memory_space<vmem>>, vector<1x16xi32>,
      %get3A_251 = vector.shape_cast %get3A_250 : vector<1x16xi32> to vector<16xi32>
      %get3A_252 = arith.constant 0 : index
      %get3A_253 = tpu.vector_load %arg6[%get3A_252] {strides = array<i32>} : memref<100xi32, #tpu.memory_space<vmem>>, vector<16xi32>,
      %get3A_254 = vector.shape_cast %get3A_253 : vector<16xi32> to vector<16xi32>
      %add3A_255 = arith.addi %get3A_251, %get3A_254 : vector<16xi32>
      %add3A_256 = arith.constant 0 : i32
      %add3A_257 = arith.addi %mul3A_248, %add3A_256 : i32
      %swap3A_258 = arith.index_cast %add3A_257 : i32 to index
      %swap3A_259 = tpu.vector_load %arg8[%swap3A_258] {strides = array<i32>} : memref<1600xi32, #tpu.memory_space<vmem>>, vector<16xi32>,
      %swap3A_260 = vector.shape_cast %swap3A_259 : vector<16xi32> to vector<16xi32>
      %swap3A_261 = vector.shape_cast %add3A_255 : vector<16xi32> to vector<16xi32>
      tpu.vector_store %arg8[%swap3A_258], %swap3A_261 {strides = array<i32>} : memref<1600xi32, #tpu.memory_space<vmem>>, vector<16xi32>,
      %get3A_262 = arith.index_cast %scan3A_245 : i32 to index
      %get3A_263 = arith.constant 16 : index
      %get3A_264 = tpu.vector_load %arg5[%get3A_262, %get3A_263] {strides = array<i32>} : memref<16x100xi32, #tpu.memory_space<vmem>>, vector<1x16xi32>,
      %get3A_265 = vector.shape_cast %get3A_264 : vector<1x16xi32> to vector<16xi32>
      %get3A_266 = arith.constant 16 : index
      %get3A_267 = tpu.vector_load %arg6[%get3A_266] {strides = array<i32>} : memref<100xi32, #tpu.memory_space<vmem>>, vector<16xi32>,
      %get3A_268 = vector.shape_cast %get3A_267 : vector<16xi32> to vector<16xi32>
      %add3A_269 = arith.addi %get3A_265, %get3A_268 : vector<16xi32>
      %add3A_270 = arith.constant 16 : i32
      %add3A_271 = arith.addi %mul3A_248, %add3A_270 : i32
      %swap3A_272 = arith.index_cast %add3A_271 : i32 to index
      %swap3A_273 = tpu.vector_load %arg8[%swap3A_272] {strides = array<i32>} : memref<1600xi32, #tpu.memory_space<vmem>>, vector<16xi32>,
      %swap3A_274 = vector.shape_cast %swap3A_273 : vector<16xi32> to vector<16xi32>
      %swap3A_275 = vector.shape_cast %add3A_269 : vector<16xi32> to vector<16xi32>
      tpu.vector_store %arg8[%swap3A_272], %swap3A_275 {strides = array<i32>} : memref<1600xi32, #tpu.memory_space<vmem>>, vector<16xi32>,
      %get3A_276 = arith.index_cast %scan3A_245 : i32 to index
      %get3A_277 = arith.constant 32 : index
      %get3A_278 = tpu.vector_load %arg5[%get3A_276, %get3A_277] {strides = array<i32>} : memref<16x100xi32, #tpu.memory_space<vmem>>, vector<1x16xi32>,
      %get3A_279 = vector.shape_cast %get3A_278 : vector<1x16xi32> to vector<16xi32>
      %get3A_280 = arith.constant 32 : index
      %get3A_281 = tpu.vector_load %arg6[%get3A_280] {strides = array<i32>} : memref<100xi32, #tpu.memory_space<vmem>>, vector<16xi32>,
      %get3A_282 = vector.shape_cast %get3A_281 : vector<16xi32> to vector<16xi32>
      %add3A_283 = arith.addi %get3A_279, %get3A_282 : vector<16xi32>
      %add3A_284 = arith.constant 32 : i32
      %add3A_285 = arith.addi %mul3A_248, %add3A_284 : i32
      %swap3A_286 = arith.index_cast %add3A_285 : i32 to index
      %swap3A_287 = tpu.vector_load %arg8[%swap3A_286] {strides = array<i32>} : memref<1600xi32, #tpu.memory_space<vmem>>, vector<16xi32>,
      %swap3A_288 = vector.shape_cast %swap3A_287 : vector<16xi32> to vector<16xi32>
      %swap3A_289 = vector.shape_cast %add3A_283 : vector<16xi32> to vector<16xi32>
      tpu.vector_store %arg8[%swap3A_286], %swap3A_289 {strides = array<i32>} : memref<1600xi32, #tpu.memory_space<vmem>>, vector<16xi32>,
      %get3A_290 = arith.index_cast %scan3A_245 : i32 to index
      %get3A_291 = arith.constant 48 : index
      %get3A_292 = tpu.vector_load %arg5[%get3A_290, %get3A_291] {strides = array<i32>} : memref<16x100xi32, #tpu.memory_space<vmem>>, vector<1x16xi32>,
      %get3A_293 = vector.shape_cast %get3A_292 : vector<1x16xi32> to vector<16xi32>
      %get3A_294 = arith.constant 48 : index
      %get3A_295 = tpu.vector_load %arg6[%get3A_294] {strides = array<i32>} : memref<100xi32, #tpu.memory_space<vmem>>, vector<16xi32>,
      %get3A_296 = vector.shape_cast %get3A_295 : vector<16xi32> to vector<16xi32>
      %add3A_297 = arith.addi %get3A_293, %get3A_296 : vector<16xi32>
      %add3A_298 = arith.constant 48 : i32
      %add3A_299 = arith.addi %mul3A_248, %add3A_298 : i32
      %swap3A_300 = arith.index_cast %add3A_299 : i32 to index
      %swap3A_301 = tpu.vector_load %arg8[%swap3A_300] {strides = array<i32>} : memref<1600xi32, #tpu.memory_space<vmem>>, vector<16xi32>,
      %swap3A_302 = vector.shape_cast %swap3A_301 : vector<16xi32> to vector<16xi32>
      %swap3A_303 = vector.shape_cast %add3A_297 : vector<16xi32> to vector<16xi32>
      tpu.vector_store %arg8[%swap3A_300], %swap3A_303 {strides = array<i32>} : memref<1600xi32, #tpu.memory_space<vmem>>, vector<16xi32>,
      %get3A_304 = arith.index_cast %scan3A_245 : i32 to index
      %get3A_305 = arith.constant 64 : index
      %get3A_306 = tpu.vector_load %arg5[%get3A_304, %get3A_305] {strides = array<i32>} : memref<16x100xi32, #tpu.memory_space<vmem>>, vector<1x16xi32>,
      %get3A_307 = vector.shape_cast %get3A_306 : vector<1x16xi32> to vector<16xi32>
      %get3A_308 = arith.constant 64 : index
      %get3A_309 = tpu.vector_load %arg6[%get3A_308] {strides = array<i32>} : memref<100xi32, #tpu.memory_space<vmem>>, vector<16xi32>,
      %get3A_310 = vector.shape_cast %get3A_309 : vector<16xi32> to vector<16xi32>
      %add3A_311 = arith.addi %get3A_307, %get3A_310 : vector<16xi32>
      %add3A_312 = arith.constant 64 : i32
      %add3A_313 = arith.addi %mul3A_248, %add3A_312 : i32
      %swap3A_314 = arith.index_cast %add3A_313 : i32 to index
      %swap3A_315 = tpu.vector_load %arg8[%swap3A_314] {strides = array<i32>} : memref<1600xi32, #tpu.memory_space<vmem>>, vector<16xi32>,
      %swap3A_316 = vector.shape_cast %swap3A_315 : vector<16xi32> to vector<16xi32>
      %swap3A_317 = vector.shape_cast %add3A_311 : vector<16xi32> to vector<16xi32>
      tpu.vector_store %arg8[%swap3A_314], %swap3A_317 {strides = array<i32>} : memref<1600xi32, #tpu.memory_space<vmem>>, vector<16xi32>,
      %get3A_318 = arith.index_cast %scan3A_245 : i32 to index
      %get3A_319 = arith.constant 80 : index
      %get3A_320 = tpu.vector_load %arg5[%get3A_318, %get3A_319] {strides = array<i32>} : memref<16x100xi32, #tpu.memory_space<vmem>>, vector<1x16xi32>,
      %get3A_321 = vector.shape_cast %get3A_320 : vector<1x16xi32> to vector<16xi32>
      %get3A_322 = arith.constant 80 : index
      %get3A_323 = tpu.vector_load %arg6[%get3A_322] {strides = array<i32>} : memref<100xi32, #tpu.memory_space<vmem>>, vector<16xi32>,
      %get3A_324 = vector.shape_cast %get3A_323 : vector<16xi32> to vector<16xi32>
      %add3A_325 = arith.addi %get3A_321, %get3A_324 : vector<16xi32>
      %add3A_326 = arith.constant 80 : i32
      %add3A_327 = arith.addi %mul3A_248, %add3A_326 : i32
      %swap3A_328 = arith.index_cast %add3A_327 : i32 to index
      %swap3A_329 = tpu.vector_load %arg8[%swap3A_328] {strides = array<i32>} : memref<1600xi32, #tpu.memory_space<vmem>>, vector<16xi32>,
      %swap3A_330 = vector.shape_cast %swap3A_329 : vector<16xi32> to vector<16xi32>
      %swap3A_331 = vector.shape_cast %add3A_325 : vector<16xi32> to vector<16xi32>
      tpu.vector_store %arg8[%swap3A_328], %swap3A_331 {strides = array<i32>} : memref<1600xi32, #tpu.memory_space<vmem>>, vector<16xi32>,
      %get3A_332 = arith.index_cast %scan3A_245 : i32 to index
      %get3A_333 = arith.constant 84 : index
      %get3A_334 = tpu.vector_load %arg5[%get3A_332, %get3A_333] {strides = array<i32>} : memref<16x100xi32, #tpu.memory_space<vmem>>, vector<1x16xi32>,
      %get3A_335 = vector.shape_cast %get3A_334 : vector<1x16xi32> to vector<16xi32>
      %get3A_336 = arith.constant 84 : index
      %get3A_337 = tpu.vector_load %arg6[%get3A_336] {strides = array<i32>} : memref<100xi32, #tpu.memory_space<vmem>>, vector<16xi32>,
      %get3A_338 = vector.shape_cast %get3A_337 : vector<16xi32> to vector<16xi32>
      %add3A_339 = arith.addi %get3A_335, %get3A_338 : vector<16xi32>
      %add3A_340 = arith.constant 84 : i32
      %add3A_341 = arith.addi %mul3A_248, %add3A_340 : i32
      %swap3A_342 = arith.index_cast %add3A_341 : i32 to index
      %swap3A_343 = tpu.vector_load %arg8[%swap3A_342] {strides = array<i32>} : memref<1600xi32, #tpu.memory_space<vmem>>, vector<16xi32>,
      %swap3A_344 = vector.shape_cast %swap3A_343 : vector<16xi32> to vector<16xi32>
      %swap3A_345 = vector.shape_cast %add3A_339 : vector<16xi32> to vector<16xi32>
      tpu.vector_store %arg8[%swap3A_342], %swap3A_345 {strides = array<i32>} : memref<1600xi32, #tpu.memory_space<vmem>>, vector<16xi32>,
      %scan3A_346 = arith.constant 0 : i32
      scf.yield %scan3A_346 : i32
    }
    %scan3A_137 = arith.constant 16 : i32
    %dma_start3A_138 = arith.constant 0 : i32
    %dma_start3A_139 = arith.constant 0 : i32
    %dma_start3A_140 = tpu.memref_slice %arg3[%dma_start3A_138, %dma_start3A_139] : memref<102400x16xf32, #tpu.memory_space<hbm>> -> memref<102400x16xf32, #tpu.memory_space<hbm>>
    tpu.enqueue_indirect_dma source(%dma_start3A_140 : memref<102400x16xf32, #tpu.memory_space<hbm>>) target(%arg12 : memref<1600x16xf32, #tpu.memory_space<vmem>>) offsets(%arg8 : memref<1600xi32, #tpu.memory_space<vmem>>) semaphore(%arg16 : memref<!tpu.dma_semaphore, #tpu.memory_space<semaphore_mem>>)
    %add3A_141 = arith.constant 3200 : i32
    %add3A_142 = arith.addi %mul3A_2, %add3A_141 : i32
    %jit3A_143 = arith.constant 100 : i32
    %div3A_144 = arith.divsi %add3A_142, %jit3A_143 : i32
    %sign3A_145 = arith.constant 0 : i32
    %sign3A_146 = arith.cmpi sgt, %add3A_142, %sign3A_145 : i32
    %sign3A_147 = arith.extui %sign3A_146 : i1 to i32
    %sign3A_148 = arith.constant 0 : i32
    %sign3A_149 = arith.cmpi slt, %add3A_142, %sign3A_148 : i32
    %sign3A_150 = arith.extui %sign3A_149 : i1 to i32
    %sign3A_151 = arith.subi %sign3A_147, %sign3A_150 : i32
    %sign3A_152 = arith.constant 0 : i32
    %sign3A_153 = arith.cmpi sgt, %jit3A_143, %sign3A_152 : i32
    %sign3A_154 = arith.extui %sign3A_153 : i1 to i32
    %sign3A_155 = arith.constant 0 : i32
    %sign3A_156 = arith.cmpi slt, %jit3A_143, %sign3A_155 : i32
    %sign3A_157 = arith.extui %sign3A_156 : i1 to i32
    %sign3A_158 = arith.subi %sign3A_154, %sign3A_157 : i32
    %ne3A_159 = arith.cmpi ne, %sign3A_151, %sign3A_158 : i32
    %rem3A_160 = arith.remsi %add3A_142, %jit3A_143 : i32
    %ne3A_161 = arith.constant 0 : i32
    %ne3A_162 = arith.cmpi ne, %rem3A_160, %ne3A_161 : i32
    %and3A_163 = arith.andi %ne3A_159, %ne3A_162 : i1
    %sub3A_164 = arith.constant 1 : i32
    %sub3A_165 = arith.subi %div3A_144, %sub3A_164 : i32
    %select_n3A_166 = arith.select %and3A_163, %sub3A_165, %div3A_144 : i32
    %multiple_of3A_167 = tpu.assume_multiple %select_n3A_166, 8 : i32
    "tpu.region"() ({
      %run_scoped3A = tpu.sem_alloc : memref<!tpu.dma_semaphore, #tpu.memory_space<semaphore_mem>>
      %dma_start3A_245 = arith.constant 0 : i32
      %dma_start3A_246 = tpu.memref_slice %arg2[%multiple_of3A_167, %dma_start3A_245] : memref<16384x100xi32, #tpu.memory_space<hbm>> -> memref<16x100xi32, #tpu.memory_space<hbm>>
      %dma_start3A_247 = arith.constant 0 : i32
      %dma_start3A_248 = tpu.memref_slice %arg2[%multiple_of3A_167, %dma_start3A_247] : memref<16384x100xi32, #tpu.memory_space<hbm>> -> memref<16x100xi32, #tpu.memory_space<hbm>>
      tpu.enqueue_dma source(%dma_start3A_248 : memref<16x100xi32, #tpu.memory_space<hbm>>) target(%arg5 : memref<16x100xi32, #tpu.memory_space<vmem>>) target_semaphore(%run_scoped3A : memref<!tpu.dma_semaphore, #tpu.memory_space<semaphore_mem>>)
      %dma_wait3A_249 = arith.constant 0 : i32
      %dma_wait3A_250 = tpu.memref_slice %arg2[%multiple_of3A_167, %dma_wait3A_249] : memref<16384x100xi32, #tpu.memory_space<hbm>> -> memref<16x100xi32, #tpu.memory_space<hbm>>
      %dma_wait3A_251 = arith.constant 0 : i32
      %dma_wait3A_252 = tpu.memref_slice %arg2[%multiple_of3A_167, %dma_wait3A_251] : memref<16384x100xi32, #tpu.memory_space<hbm>> -> memref<16x100xi32, #tpu.memory_space<hbm>>
      tpu.wait_dma2 semaphore(%run_scoped3A : memref<!tpu.dma_semaphore, #tpu.memory_space<semaphore_mem>>) src(%dma_wait3A_252 : memref<16x100xi32, #tpu.memory_space<hbm>>) dst(%arg5 : memref<16x100xi32, #tpu.memory_space<vmem>>)
      tpu.yield
    }) : () -> ()
    %scan3A_168 = arith.constant 0 : i32
    %scan3A_169 = arith.constant 0 : i32
    %scan3A_170 = arith.constant 16 : i32
    %scan3A_171 = arith.addi %scan3A_169, %scan3A_170 : i32
    %scan3A_172 = arith.constant 1 : i32
    %scan3A_173 = scf.for %scan3A_245 = %scan3A_169 to %scan3A_171 step %scan3A_172 iter_args(%scan3A_246 = %scan3A_168) -> (i32)  : i32 {
      %mul3A_247 = arith.constant 100 : i32
      %mul3A_248 = arith.muli %scan3A_245, %mul3A_247 : i32
      %get3A = arith.index_cast %scan3A_245 : i32 to index
      %get3A_249 = arith.constant 0 : index
      %get3A_250 = tpu.vector_load %arg5[%get3A, %get3A_249] {strides = array<i32>} : memref<16x100xi32, #tpu.memory_space<vmem>>, vector<1x16xi32>,
      %get3A_251 = vector.shape_cast %get3A_250 : vector<1x16xi32> to vector<16xi32>
      %get3A_252 = arith.constant 0 : index
      %get3A_253 = tpu.vector_load %arg6[%get3A_252] {strides = array<i32>} : memref<100xi32, #tpu.memory_space<vmem>>, vector<16xi32>,
      %get3A_254 = vector.shape_cast %get3A_253 : vector<16xi32> to vector<16xi32>
      %add3A_255 = arith.addi %get3A_251, %get3A_254 : vector<16xi32>
      %add3A_256 = arith.constant 0 : i32
      %add3A_257 = arith.addi %mul3A_248, %add3A_256 : i32
      %swap3A_258 = arith.index_cast %add3A_257 : i32 to index
      %swap3A_259 = tpu.vector_load %arg9[%swap3A_258] {strides = array<i32>} : memref<1600xi32, #tpu.memory_space<vmem>>, vector<16xi32>,
      %swap3A_260 = vector.shape_cast %swap3A_259 : vector<16xi32> to vector<16xi32>
      %swap3A_261 = vector.shape_cast %add3A_255 : vector<16xi32> to vector<16xi32>
      tpu.vector_store %arg9[%swap3A_258], %swap3A_261 {strides = array<i32>} : memref<1600xi32, #tpu.memory_space<vmem>>, vector<16xi32>,
      %get3A_262 = arith.index_cast %scan3A_245 : i32 to index
      %get3A_263 = arith.constant 16 : index
      %get3A_264 = tpu.vector_load %arg5[%get3A_262, %get3A_263] {strides = array<i32>} : memref<16x100xi32, #tpu.memory_space<vmem>>, vector<1x16xi32>,
      %get3A_265 = vector.shape_cast %get3A_264 : vector<1x16xi32> to vector<16xi32>
      %get3A_266 = arith.constant 16 : index
      %get3A_267 = tpu.vector_load %arg6[%get3A_266] {strides = array<i32>} : memref<100xi32, #tpu.memory_space<vmem>>, vector<16xi32>,
      %get3A_268 = vector.shape_cast %get3A_267 : vector<16xi32> to vector<16xi32>
      %add3A_269 = arith.addi %get3A_265, %get3A_268 : vector<16xi32>
      %add3A_270 = arith.constant 16 : i32
      %add3A_271 = arith.addi %mul3A_248, %add3A_270 : i32
      %swap3A_272 = arith.index_cast %add3A_271 : i32 to index
      %swap3A_273 = tpu.vector_load %arg9[%swap3A_272] {strides = array<i32>} : memref<1600xi32, #tpu.memory_space<vmem>>, vector<16xi32>,
      %swap3A_274 = vector.shape_cast %swap3A_273 : vector<16xi32> to vector<16xi32>
      %swap3A_275 = vector.shape_cast %add3A_269 : vector<16xi32> to vector<16xi32>
      tpu.vector_store %arg9[%swap3A_272], %swap3A_275 {strides = array<i32>} : memref<1600xi32, #tpu.memory_space<vmem>>, vector<16xi32>,
      %get3A_276 = arith.index_cast %scan3A_245 : i32 to index
      %get3A_277 = arith.constant 32 : index
      %get3A_278 = tpu.vector_load %arg5[%get3A_276, %get3A_277] {strides = array<i32>} : memref<16x100xi32, #tpu.memory_space<vmem>>, vector<1x16xi32>,
      %get3A_279 = vector.shape_cast %get3A_278 : vector<1x16xi32> to vector<16xi32>
      %get3A_280 = arith.constant 32 : index
      %get3A_281 = tpu.vector_load %arg6[%get3A_280] {strides = array<i32>} : memref<100xi32, #tpu.memory_space<vmem>>, vector<16xi32>,
      %get3A_282 = vector.shape_cast %get3A_281 : vector<16xi32> to vector<16xi32>
      %add3A_283 = arith.addi %get3A_279, %get3A_282 : vector<16xi32>
      %add3A_284 = arith.constant 32 : i32
      %add3A_285 = arith.addi %mul3A_248, %add3A_284 : i32
      %swap3A_286 = arith.index_cast %add3A_285 : i32 to index
      %swap3A_287 = tpu.vector_load %arg9[%swap3A_286] {strides = array<i32>} : memref<1600xi32, #tpu.memory_space<vmem>>, vector<16xi32>,
      %swap3A_288 = vector.shape_cast %swap3A_287 : vector<16xi32> to vector<16xi32>
      %swap3A_289 = vector.shape_cast %add3A_283 : vector<16xi32> to vector<16xi32>
      tpu.vector_store %arg9[%swap3A_286], %swap3A_289 {strides = array<i32>} : memref<1600xi32, #tpu.memory_space<vmem>>, vector<16xi32>,
      %get3A_290 = arith.index_cast %scan3A_245 : i32 to index
      %get3A_291 = arith.constant 48 : index
      %get3A_292 = tpu.vector_load %arg5[%get3A_290, %get3A_291] {strides = array<i32>} : memref<16x100xi32, #tpu.memory_space<vmem>>, vector<1x16xi32>,
      %get3A_293 = vector.shape_cast %get3A_292 : vector<1x16xi32> to vector<16xi32>
      %get3A_294 = arith.constant 48 : index
      %get3A_295 = tpu.vector_load %arg6[%get3A_294] {strides = array<i32>} : memref<100xi32, #tpu.memory_space<vmem>>, vector<16xi32>,
      %get3A_296 = vector.shape_cast %get3A_295 : vector<16xi32> to vector<16xi32>
      %add3A_297 = arith.addi %get3A_293, %get3A_296 : vector<16xi32>
      %add3A_298 = arith.constant 48 : i32
      %add3A_299 = arith.addi %mul3A_248, %add3A_298 : i32
      %swap3A_300 = arith.index_cast %add3A_299 : i32 to index
      %swap3A_301 = tpu.vector_load %arg9[%swap3A_300] {strides = array<i32>} : memref<1600xi32, #tpu.memory_space<vmem>>, vector<16xi32>,
      %swap3A_302 = vector.shape_cast %swap3A_301 : vector<16xi32> to vector<16xi32>
      %swap3A_303 = vector.shape_cast %add3A_297 : vector<16xi32> to vector<16xi32>
      tpu.vector_store %arg9[%swap3A_300], %swap3A_303 {strides = array<i32>} : memref<1600xi32, #tpu.memory_space<vmem>>, vector<16xi32>,
      %get3A_304 = arith.index_cast %scan3A_245 : i32 to index
      %get3A_305 = arith.constant 64 : index
      %get3A_306 = tpu.vector_load %arg5[%get3A_304, %get3A_305] {strides = array<i32>} : memref<16x100xi32, #tpu.memory_space<vmem>>, vector<1x16xi32>,
      %get3A_307 = vector.shape_cast %get3A_306 : vector<1x16xi32> to vector<16xi32>
      %get3A_308 = arith.constant 64 : index
      %get3A_309 = tpu.vector_load %arg6[%get3A_308] {strides = array<i32>} : memref<100xi32, #tpu.memory_space<vmem>>, vector<16xi32>,
      %get3A_310 = vector.shape_cast %get3A_309 : vector<16xi32> to vector<16xi32>
      %add3A_311 = arith.addi %get3A_307, %get3A_310 : vector<16xi32>
      %add3A_312 = arith.constant 64 : i32
      %add3A_313 = arith.addi %mul3A_248, %add3A_312 : i32
      %swap3A_314 = arith.index_cast %add3A_313 : i32 to index
      %swap3A_315 = tpu.vector_load %arg9[%swap3A_314] {strides = array<i32>} : memref<1600xi32, #tpu.memory_space<vmem>>, vector<16xi32>,
      %swap3A_316 = vector.shape_cast %swap3A_315 : vector<16xi32> to vector<16xi32>
      %swap3A_317 = vector.shape_cast %add3A_311 : vector<16xi32> to vector<16xi32>
      tpu.vector_store %arg9[%swap3A_314], %swap3A_317 {strides = array<i32>} : memref<1600xi32, #tpu.memory_space<vmem>>, vector<16xi32>,
      %get3A_318 = arith.index_cast %scan3A_245 : i32 to index
      %get3A_319 = arith.constant 80 : index
      %get3A_320 = tpu.vector_load %arg5[%get3A_318, %get3A_319] {strides = array<i32>} : memref<16x100xi32, #tpu.memory_space<vmem>>, vector<1x16xi32>,
      %get3A_321 = vector.shape_cast %get3A_320 : vector<1x16xi32> to vector<16xi32>
      %get3A_322 = arith.constant 80 : index
      %get3A_323 = tpu.vector_load %arg6[%get3A_322] {strides = array<i32>} : memref<100xi32, #tpu.memory_space<vmem>>, vector<16xi32>,
      %get3A_324 = vector.shape_cast %get3A_323 : vector<16xi32> to vector<16xi32>
      %add3A_325 = arith.addi %get3A_321, %get3A_324 : vector<16xi32>
      %add3A_326 = arith.constant 80 : i32
      %add3A_327 = arith.addi %mul3A_248, %add3A_326 : i32
      %swap3A_328 = arith.index_cast %add3A_327 : i32 to index
      %swap3A_329 = tpu.vector_load %arg9[%swap3A_328] {strides = array<i32>} : memref<1600xi32, #tpu.memory_space<vmem>>, vector<16xi32>,
      %swap3A_330 = vector.shape_cast %swap3A_329 : vector<16xi32> to vector<16xi32>
      %swap3A_331 = vector.shape_cast %add3A_325 : vector<16xi32> to vector<16xi32>
      tpu.vector_store %arg9[%swap3A_328], %swap3A_331 {strides = array<i32>} : memref<1600xi32, #tpu.memory_space<vmem>>, vector<16xi32>,
      %get3A_332 = arith.index_cast %scan3A_245 : i32 to index
      %get3A_333 = arith.constant 84 : index
      %get3A_334 = tpu.vector_load %arg5[%get3A_332, %get3A_333] {strides = array<i32>} : memref<16x100xi32, #tpu.memory_space<vmem>>, vector<1x16xi32>,
      %get3A_335 = vector.shape_cast %get3A_334 : vector<1x16xi32> to vector<16xi32>
      %get3A_336 = arith.constant 84 : index
      %get3A_337 = tpu.vector_load %arg6[%get3A_336] {strides = array<i32>} : memref<100xi32, #tpu.memory_space<vmem>>, vector<16xi32>,
      %get3A_338 = vector.shape_cast %get3A_337 : vector<16xi32> to vector<16xi32>
      %add3A_339 = arith.addi %get3A_335, %get3A_338 : vector<16xi32>
      %add3A_340 = arith.constant 84 : i32
      %add3A_341 = arith.addi %mul3A_248, %add3A_340 : i32
      %swap3A_342 = arith.index_cast %add3A_341 : i32 to index
      %swap3A_343 = tpu.vector_load %arg9[%swap3A_342] {strides = array<i32>} : memref<1600xi32, #tpu.memory_space<vmem>>, vector<16xi32>,
      %swap3A_344 = vector.shape_cast %swap3A_343 : vector<16xi32> to vector<16xi32>
      %swap3A_345 = vector.shape_cast %add3A_339 : vector<16xi32> to vector<16xi32>
      tpu.vector_store %arg9[%swap3A_342], %swap3A_345 {strides = array<i32>} : memref<1600xi32, #tpu.memory_space<vmem>>, vector<16xi32>,
      %scan3A_346 = arith.constant 0 : i32
      scf.yield %scan3A_346 : i32
    }
    %scan3A_174 = arith.constant 16 : i32
    %dma_start3A_175 = arith.constant 0 : i32
    %dma_start3A_176 = arith.constant 0 : i32
    %dma_start3A_177 = tpu.memref_slice %arg3[%dma_start3A_175, %dma_start3A_176] : memref<102400x16xf32, #tpu.memory_space<hbm>> -> memref<102400x16xf32, #tpu.memory_space<hbm>>
    tpu.enqueue_indirect_dma source(%dma_start3A_177 : memref<102400x16xf32, #tpu.memory_space<hbm>>) target(%arg13 : memref<1600x16xf32, #tpu.memory_space<vmem>>) offsets(%arg9 : memref<1600xi32, #tpu.memory_space<vmem>>) semaphore(%arg17 : memref<!tpu.dma_semaphore, #tpu.memory_space<semaphore_mem>>)
    %add3A_178 = arith.constant 4800 : i32
    %add3A_179 = arith.addi %mul3A_2, %add3A_178 : i32
    %jit3A_180 = arith.constant 100 : i32
    %div3A_181 = arith.divsi %add3A_179, %jit3A_180 : i32
    %sign3A_182 = arith.constant 0 : i32
    %sign3A_183 = arith.cmpi sgt, %add3A_179, %sign3A_182 : i32
    %sign3A_184 = arith.extui %sign3A_183 : i1 to i32
    %sign3A_185 = arith.constant 0 : i32
    %sign3A_186 = arith.cmpi slt, %add3A_179, %sign3A_185 : i32
    %sign3A_187 = arith.extui %sign3A_186 : i1 to i32
    %sign3A_188 = arith.subi %sign3A_184, %sign3A_187 : i32
    %sign3A_189 = arith.constant 0 : i32
    %sign3A_190 = arith.cmpi sgt, %jit3A_180, %sign3A_189 : i32
    %sign3A_191 = arith.extui %sign3A_190 : i1 to i32
    %sign3A_192 = arith.constant 0 : i32
    %sign3A_193 = arith.cmpi slt, %jit3A_180, %sign3A_192 : i32
    %sign3A_194 = arith.extui %sign3A_193 : i1 to i32
    %sign3A_195 = arith.subi %sign3A_191, %sign3A_194 : i32
    %ne3A_196 = arith.cmpi ne, %sign3A_188, %sign3A_195 : i32
    %rem3A_197 = arith.remsi %add3A_179, %jit3A_180 : i32
    %ne3A_198 = arith.constant 0 : i32
    %ne3A_199 = arith.cmpi ne, %rem3A_197, %ne3A_198 : i32
    %and3A_200 = arith.andi %ne3A_196, %ne3A_199 : i1
    %sub3A_201 = arith.constant 1 : i32
    %sub3A_202 = arith.subi %div3A_181, %sub3A_201 : i32
    %select_n3A_203 = arith.select %and3A_200, %sub3A_202, %div3A_181 : i32
    %multiple_of3A_204 = tpu.assume_multiple %select_n3A_203, 8 : i32
    "tpu.region"() ({
      %run_scoped3A = tpu.sem_alloc : memref<!tpu.dma_semaphore, #tpu.memory_space<semaphore_mem>>
      %dma_start3A_245 = arith.constant 0 : i32
      %dma_start3A_246 = tpu.memref_slice %arg2[%multiple_of3A_204, %dma_start3A_245] : memref<16384x100xi32, #tpu.memory_space<hbm>> -> memref<16x100xi32, #tpu.memory_space<hbm>>
      %dma_start3A_247 = arith.constant 0 : i32
      %dma_start3A_248 = tpu.memref_slice %arg2[%multiple_of3A_204, %dma_start3A_247] : memref<16384x100xi32, #tpu.memory_space<hbm>> -> memref<16x100xi32, #tpu.memory_space<hbm>>
      tpu.enqueue_dma source(%dma_start3A_248 : memref<16x100xi32, #tpu.memory_space<hbm>>) target(%arg5 : memref<16x100xi32, #tpu.memory_space<vmem>>) target_semaphore(%run_scoped3A : memref<!tpu.dma_semaphore, #tpu.memory_space<semaphore_mem>>)
      %dma_wait3A_249 = arith.constant 0 : i32
      %dma_wait3A_250 = tpu.memref_slice %arg2[%multiple_of3A_204, %dma_wait3A_249] : memref<16384x100xi32, #tpu.memory_space<hbm>> -> memref<16x100xi32, #tpu.memory_space<hbm>>
      %dma_wait3A_251 = arith.constant 0 : i32
      %dma_wait3A_252 = tpu.memref_slice %arg2[%multiple_of3A_204, %dma_wait3A_251] : memref<16384x100xi32, #tpu.memory_space<hbm>> -> memref<16x100xi32, #tpu.memory_space<hbm>>
      tpu.wait_dma2 semaphore(%run_scoped3A : memref<!tpu.dma_semaphore, #tpu.memory_space<semaphore_mem>>) src(%dma_wait3A_252 : memref<16x100xi32, #tpu.memory_space<hbm>>) dst(%arg5 : memref<16x100xi32, #tpu.memory_space<vmem>>)
      tpu.yield
    }) : () -> ()
    %scan3A_205 = arith.constant 0 : i32
    %scan3A_206 = arith.constant 0 : i32
    %scan3A_207 = arith.constant 16 : i32
    %scan3A_208 = arith.addi %scan3A_206, %scan3A_207 : i32
    %scan3A_209 = arith.constant 1 : i32
    %scan3A_210 = scf.for %scan3A_245 = %scan3A_206 to %scan3A_208 step %scan3A_209 iter_args(%scan3A_246 = %scan3A_205) -> (i32)  : i32 {
      %mul3A_247 = arith.constant 100 : i32
      %mul3A_248 = arith.muli %scan3A_245, %mul3A_247 : i32
      %get3A = arith.index_cast %scan3A_245 : i32 to index
      %get3A_249 = arith.constant 0 : index
      %get3A_250 = tpu.vector_load %arg5[%get3A, %get3A_249] {strides = array<i32>} : memref<16x100xi32, #tpu.memory_space<vmem>>, vector<1x16xi32>,
      %get3A_251 = vector.shape_cast %get3A_250 : vector<1x16xi32> to vector<16xi32>
      %get3A_252 = arith.constant 0 : index
      %get3A_253 = tpu.vector_load %arg6[%get3A_252] {strides = array<i32>} : memref<100xi32, #tpu.memory_space<vmem>>, vector<16xi32>,
      %get3A_254 = vector.shape_cast %get3A_253 : vector<16xi32> to vector<16xi32>
      %add3A_255 = arith.addi %get3A_251, %get3A_254 : vector<16xi32>
      %add3A_256 = arith.constant 0 : i32
      %add3A_257 = arith.addi %mul3A_248, %add3A_256 : i32
      %swap3A_258 = arith.index_cast %add3A_257 : i32 to index
      %swap3A_259 = tpu.vector_load %arg10[%swap3A_258] {strides = array<i32>} : memref<1600xi32, #tpu.memory_space<vmem>>, vector<16xi32>,
      %swap3A_260 = vector.shape_cast %swap3A_259 : vector<16xi32> to vector<16xi32>
      %swap3A_261 = vector.shape_cast %add3A_255 : vector<16xi32> to vector<16xi32>
      tpu.vector_store %arg10[%swap3A_258], %swap3A_261 {strides = array<i32>} : memref<1600xi32, #tpu.memory_space<vmem>>, vector<16xi32>,
      %get3A_262 = arith.index_cast %scan3A_245 : i32 to index
      %get3A_263 = arith.constant 16 : index
      %get3A_264 = tpu.vector_load %arg5[%get3A_262, %get3A_263] {strides = array<i32>} : memref<16x100xi32, #tpu.memory_space<vmem>>, vector<1x16xi32>,
      %get3A_265 = vector.shape_cast %get3A_264 : vector<1x16xi32> to vector<16xi32>
      %get3A_266 = arith.constant 16 : index
      %get3A_267 = tpu.vector_load %arg6[%get3A_266] {strides = array<i32>} : memref<100xi32, #tpu.memory_space<vmem>>, vector<16xi32>,
      %get3A_268 = vector.shape_cast %get3A_267 : vector<16xi32> to vector<16xi32>
      %add3A_269 = arith.addi %get3A_265, %get3A_268 : vector<16xi32>
      %add3A_270 = arith.constant 16 : i32
      %add3A_271 = arith.addi %mul3A_248, %add3A_270 : i32
      %swap3A_272 = arith.index_cast %add3A_271 : i32 to index
      %swap3A_273 = tpu.vector_load %arg10[%swap3A_272] {strides = array<i32>} : memref<1600xi32, #tpu.memory_space<vmem>>, vector<16xi32>,
      %swap3A_274 = vector.shape_cast %swap3A_273 : vector<16xi32> to vector<16xi32>
      %swap3A_275 = vector.shape_cast %add3A_269 : vector<16xi32> to vector<16xi32>
      tpu.vector_store %arg10[%swap3A_272], %swap3A_275 {strides = array<i32>} : memref<1600xi32, #tpu.memory_space<vmem>>, vector<16xi32>,
      %get3A_276 = arith.index_cast %scan3A_245 : i32 to index
      %get3A_277 = arith.constant 32 : index
      %get3A_278 = tpu.vector_load %arg5[%get3A_276, %get3A_277] {strides = array<i32>} : memref<16x100xi32, #tpu.memory_space<vmem>>, vector<1x16xi32>,
      %get3A_279 = vector.shape_cast %get3A_278 : vector<1x16xi32> to vector<16xi32>
      %get3A_280 = arith.constant 32 : index
      %get3A_281 = tpu.vector_load %arg6[%get3A_280] {strides = array<i32>} : memref<100xi32, #tpu.memory_space<vmem>>, vector<16xi32>,
      %get3A_282 = vector.shape_cast %get3A_281 : vector<16xi32> to vector<16xi32>
      %add3A_283 = arith.addi %get3A_279, %get3A_282 : vector<16xi32>
      %add3A_284 = arith.constant 32 : i32
      %add3A_285 = arith.addi %mul3A_248, %add3A_284 : i32
      %swap3A_286 = arith.index_cast %add3A_285 : i32 to index
      %swap3A_287 = tpu.vector_load %arg10[%swap3A_286] {strides = array<i32>} : memref<1600xi32, #tpu.memory_space<vmem>>, vector<16xi32>,
      %swap3A_288 = vector.shape_cast %swap3A_287 : vector<16xi32> to vector<16xi32>
      %swap3A_289 = vector.shape_cast %add3A_283 : vector<16xi32> to vector<16xi32>
      tpu.vector_store %arg10[%swap3A_286], %swap3A_289 {strides = array<i32>} : memref<1600xi32, #tpu.memory_space<vmem>>, vector<16xi32>,
      %get3A_290 = arith.index_cast %scan3A_245 : i32 to index
      %get3A_291 = arith.constant 48 : index
      %get3A_292 = tpu.vector_load %arg5[%get3A_290, %get3A_291] {strides = array<i32>} : memref<16x100xi32, #tpu.memory_space<vmem>>, vector<1x16xi32>,
      %get3A_293 = vector.shape_cast %get3A_292 : vector<1x16xi32> to vector<16xi32>
      %get3A_294 = arith.constant 48 : index
      %get3A_295 = tpu.vector_load %arg6[%get3A_294] {strides = array<i32>} : memref<100xi32, #tpu.memory_space<vmem>>, vector<16xi32>,
      %get3A_296 = vector.shape_cast %get3A_295 : vector<16xi32> to vector<16xi32>
      %add3A_297 = arith.addi %get3A_293, %get3A_296 : vector<16xi32>
      %add3A_298 = arith.constant 48 : i32
      %add3A_299 = arith.addi %mul3A_248, %add3A_298 : i32
      %swap3A_300 = arith.index_cast %add3A_299 : i32 to index
      %swap3A_301 = tpu.vector_load %arg10[%swap3A_300] {strides = array<i32>} : memref<1600xi32, #tpu.memory_space<vmem>>, vector<16xi32>,
      %swap3A_302 = vector.shape_cast %swap3A_301 : vector<16xi32> to vector<16xi32>
      %swap3A_303 = vector.shape_cast %add3A_297 : vector<16xi32> to vector<16xi32>
      tpu.vector_store %arg10[%swap3A_300], %swap3A_303 {strides = array<i32>} : memref<1600xi32, #tpu.memory_space<vmem>>, vector<16xi32>,
      %get3A_304 = arith.index_cast %scan3A_245 : i32 to index
      %get3A_305 = arith.constant 64 : index
      %get3A_306 = tpu.vector_load %arg5[%get3A_304, %get3A_305] {strides = array<i32>} : memref<16x100xi32, #tpu.memory_space<vmem>>, vector<1x16xi32>,
      %get3A_307 = vector.shape_cast %get3A_306 : vector<1x16xi32> to vector<16xi32>
      %get3A_308 = arith.constant 64 : index
      %get3A_309 = tpu.vector_load %arg6[%get3A_308] {strides = array<i32>} : memref<100xi32, #tpu.memory_space<vmem>>, vector<16xi32>,
      %get3A_310 = vector.shape_cast %get3A_309 : vector<16xi32> to vector<16xi32>
      %add3A_311 = arith.addi %get3A_307, %get3A_310 : vector<16xi32>
      %add3A_312 = arith.constant 64 : i32
      %add3A_313 = arith.addi %mul3A_248, %add3A_312 : i32
      %swap3A_314 = arith.index_cast %add3A_313 : i32 to index
      %swap3A_315 = tpu.vector_load %arg10[%swap3A_314] {strides = array<i32>} : memref<1600xi32, #tpu.memory_space<vmem>>, vector<16xi32>,
      %swap3A_316 = vector.shape_cast %swap3A_315 : vector<16xi32> to vector<16xi32>
      %swap3A_317 = vector.shape_cast %add3A_311 : vector<16xi32> to vector<16xi32>
      tpu.vector_store %arg10[%swap3A_314], %swap3A_317 {strides = array<i32>} : memref<1600xi32, #tpu.memory_space<vmem>>, vector<16xi32>,
      %get3A_318 = arith.index_cast %scan3A_245 : i32 to index
      %get3A_319 = arith.constant 80 : index
      %get3A_320 = tpu.vector_load %arg5[%get3A_318, %get3A_319] {strides = array<i32>} : memref<16x100xi32, #tpu.memory_space<vmem>>, vector<1x16xi32>,
      %get3A_321 = vector.shape_cast %get3A_320 : vector<1x16xi32> to vector<16xi32>
      %get3A_322 = arith.constant 80 : index
      %get3A_323 = tpu.vector_load %arg6[%get3A_322] {strides = array<i32>} : memref<100xi32, #tpu.memory_space<vmem>>, vector<16xi32>,
      %get3A_324 = vector.shape_cast %get3A_323 : vector<16xi32> to vector<16xi32>
      %add3A_325 = arith.addi %get3A_321, %get3A_324 : vector<16xi32>
      %add3A_326 = arith.constant 80 : i32
      %add3A_327 = arith.addi %mul3A_248, %add3A_326 : i32
      %swap3A_328 = arith.index_cast %add3A_327 : i32 to index
      %swap3A_329 = tpu.vector_load %arg10[%swap3A_328] {strides = array<i32>} : memref<1600xi32, #tpu.memory_space<vmem>>, vector<16xi32>,
      %swap3A_330 = vector.shape_cast %swap3A_329 : vector<16xi32> to vector<16xi32>
      %swap3A_331 = vector.shape_cast %add3A_325 : vector<16xi32> to vector<16xi32>
      tpu.vector_store %arg10[%swap3A_328], %swap3A_331 {strides = array<i32>} : memref<1600xi32, #tpu.memory_space<vmem>>, vector<16xi32>,
      %get3A_332 = arith.index_cast %scan3A_245 : i32 to index
      %get3A_333 = arith.constant 84 : index
      %get3A_334 = tpu.vector_load %arg5[%get3A_332, %get3A_333] {strides = array<i32>} : memref<16x100xi32, #tpu.memory_space<vmem>>, vector<1x16xi32>,
      %get3A_335 = vector.shape_cast %get3A_334 : vector<1x16xi32> to vector<16xi32>
      %get3A_336 = arith.constant 84 : index
      %get3A_337 = tpu.vector_load %arg6[%get3A_336] {strides = array<i32>} : memref<100xi32, #tpu.memory_space<vmem>>, vector<16xi32>,
      %get3A_338 = vector.shape_cast %get3A_337 : vector<16xi32> to vector<16xi32>
      %add3A_339 = arith.addi %get3A_335, %get3A_338 : vector<16xi32>
      %add3A_340 = arith.constant 84 : i32
      %add3A_341 = arith.addi %mul3A_248, %add3A_340 : i32
      %swap3A_342 = arith.index_cast %add3A_341 : i32 to index
      %swap3A_343 = tpu.vector_load %arg10[%swap3A_342] {strides = array<i32>} : memref<1600xi32, #tpu.memory_space<vmem>>, vector<16xi32>,
      %swap3A_344 = vector.shape_cast %swap3A_343 : vector<16xi32> to vector<16xi32>
      %swap3A_345 = vector.shape_cast %add3A_339 : vector<16xi32> to vector<16xi32>
      tpu.vector_store %arg10[%swap3A_342], %swap3A_345 {strides = array<i32>} : memref<1600xi32, #tpu.memory_space<vmem>>, vector<16xi32>,
      %scan3A_346 = arith.constant 0 : i32
      scf.yield %scan3A_346 : i32
    }
    %scan3A_211 = arith.constant 16 : i32
    %dma_start3A_212 = arith.constant 0 : i32
    %dma_start3A_213 = arith.constant 0 : i32
    %dma_start3A_214 = tpu.memref_slice %arg3[%dma_start3A_212, %dma_start3A_213] : memref<102400x16xf32, #tpu.memory_space<hbm>> -> memref<102400x16xf32, #tpu.memory_space<hbm>>
    tpu.enqueue_indirect_dma source(%dma_start3A_214 : memref<102400x16xf32, #tpu.memory_space<hbm>>) target(%arg14 : memref<1600x16xf32, #tpu.memory_space<vmem>>) offsets(%arg10 : memref<1600xi32, #tpu.memory_space<vmem>>) semaphore(%arg18 : memref<!tpu.dma_semaphore, #tpu.memory_space<semaphore_mem>>)
    %scan3A_215 = arith.constant 0 : i32
    %scan3A_216 = arith.constant 0 : i32
    %scan3A_217 = arith.constant 8 : i32
    %scan3A_218 = arith.addi %scan3A_216, %scan3A_217 : i32
    %scan3A_219 = arith.constant 1 : i32
    %scan3A_220 = scf.for %scan3A_245 = %scan3A_216 to %scan3A_218 step %scan3A_219 iter_args(%scan3A_246 = %scan3A_215) -> (i32)  : i32 {
      %mul3A_247 = arith.constant 4 : i32
      %mul3A_248 = arith.muli %scan3A_245, %mul3A_247 : i32
      %add3A_249 = arith.constant 0 : i32
      %add3A_250 = arith.addi %mul3A_248, %add3A_249 : i32
      %dma_wait3A_251 = arith.constant 0 : i32
      %dma_wait3A_252 = arith.constant 0 : i32
      %dma_wait3A_253 = tpu.memref_slice %arg3[%dma_wait3A_251, %dma_wait3A_252] : memref<102400x16xf32, #tpu.memory_space<hbm>> -> memref<102400x16xf32, #tpu.memory_space<hbm>>
      tpu.wait_indirect_dma semaphore(%arg15 : memref<!tpu.dma_semaphore, #tpu.memory_space<semaphore_mem>>) src(%dma_wait3A_253 : memref<102400x16xf32, #tpu.memory_space<hbm>>) dst(%arg11 : memref<1600x16xf32, #tpu.memory_space<vmem>>)
      %mul3A_254 = arith.constant 1600 : i32
      %mul3A_255 = arith.muli %add3A_250, %mul3A_254 : i32
      %add3A_256 = arith.addi %mul3A_2, %mul3A_255 : i32
      %multiple_of3A_257 = tpu.assume_multiple %add3A_256, 8 : i32
      %dma_start3A_258 = arith.constant 0 : i32
      %dma_start3A_259 = tpu.memref_slice %arg4[%multiple_of3A_257, %dma_start3A_258] : memref<1638400x16xf32, #tpu.memory_space<hbm>> -> memref<1600x16xf32, #tpu.memory_space<hbm>>
      %dma_start3A_260 = arith.constant 0 : i32
      %dma_start3A_261 = tpu.memref_slice %arg4[%multiple_of3A_257, %dma_start3A_260] : memref<1638400x16xf32, #tpu.memory_space<hbm>> -> memref<1600x16xf32, #tpu.memory_space<hbm>>
      tpu.enqueue_dma source(%arg11 : memref<1600x16xf32, #tpu.memory_space<vmem>>) target(%dma_start3A_261 : memref<1600x16xf32, #tpu.memory_space<hbm>>) target_semaphore(%arg19 : memref<!tpu.dma_semaphore, #tpu.memory_space<semaphore_mem>>)
      %add3A_262 = arith.constant 4 : i32
      %add3A_263 = arith.addi %add3A_250, %add3A_262 : i32
      %lt3A = arith.constant 32 : i32
      %lt3A_264 = arith.cmpi slt, %add3A_263, %lt3A : i32
      %convert_element_type3A = arith.extui %lt3A_264 : i1 to i32
      %cond3A = arith.constant 0 : i32
      %cond3A_265 = arith.cmpi ne, %convert_element_type3A, %cond3A : i32
      scf.if %cond3A_265 {
        %add3A_333 = arith.constant 4 : i32
        %add3A_334 = arith.addi %add3A_250, %add3A_333 : i32
        %mul3A_335 = arith.constant 1600 : i32
        %mul3A_336 = arith.muli %add3A_334, %mul3A_335 : i32
        %add3A_337 = arith.addi %mul3A_2, %mul3A_336 : i32
        %jit3A_338 = arith.constant 100 : i32
        %div3A_339 = arith.divsi %add3A_337, %jit3A_338 : i32
        %sign3A_340 = arith.constant 0 : i32
        %sign3A_341 = arith.cmpi sgt, %add3A_337, %sign3A_340 : i32
        %sign3A_342 = arith.extui %sign3A_341 : i1 to i32
        %sign3A_343 = arith.constant 0 : i32
        %sign3A_344 = arith.cmpi slt, %add3A_337, %sign3A_343 : i32
        %sign3A_345 = arith.extui %sign3A_344 : i1 to i32
        %sign3A_346 = arith.subi %sign3A_342, %sign3A_345 : i32
        %sign3A_347 = arith.constant 0 : i32
        %sign3A_348 = arith.cmpi sgt, %jit3A_338, %sign3A_347 : i32
        %sign3A_349 = arith.extui %sign3A_348 : i1 to i32
        %sign3A_350 = arith.constant 0 : i32
        %sign3A_351 = arith.cmpi slt, %jit3A_338, %sign3A_350 : i32
        %sign3A_352 = arith.extui %sign3A_351 : i1 to i32
        %sign3A_353 = arith.subi %sign3A_349, %sign3A_352 : i32
        %ne3A_354 = arith.cmpi ne, %sign3A_346, %sign3A_353 : i32
        %rem3A_355 = arith.remsi %add3A_337, %jit3A_338 : i32
        %ne3A_356 = arith.constant 0 : i32
        %ne3A_357 = arith.cmpi ne, %rem3A_355, %ne3A_356 : i32
        %and3A_358 = arith.andi %ne3A_354, %ne3A_357 : i1
        %sub3A_359 = arith.constant 1 : i32
        %sub3A_360 = arith.subi %div3A_339, %sub3A_359 : i32
        %select_n3A_361 = arith.select %and3A_358, %sub3A_360, %div3A_339 : i32
        %multiple_of3A_362 = tpu.assume_multiple %select_n3A_361, 8 : i32
        "tpu.region"() ({
          %run_scoped3A = tpu.sem_alloc : memref<!tpu.dma_semaphore, #tpu.memory_space<semaphore_mem>>
          %dma_start3A_379 = arith.constant 0 : i32
          %dma_start3A_380 = tpu.memref_slice %arg2[%multiple_of3A_362, %dma_start3A_379] : memref<16384x100xi32, #tpu.memory_space<hbm>> -> memref<16x100xi32, #tpu.memory_space<hbm>>
          %dma_start3A_381 = arith.constant 0 : i32
          %dma_start3A_382 = tpu.memref_slice %arg2[%multiple_of3A_362, %dma_start3A_381] : memref<16384x100xi32, #tpu.memory_space<hbm>> -> memref<16x100xi32, #tpu.memory_space<hbm>>
          tpu.enqueue_dma source(%dma_start3A_382 : memref<16x100xi32, #tpu.memory_space<hbm>>) target(%arg5 : memref<16x100xi32, #tpu.memory_space<vmem>>) target_semaphore(%run_scoped3A : memref<!tpu.dma_semaphore, #tpu.memory_space<semaphore_mem>>)
          %dma_wait3A_383 = arith.constant 0 : i32
          %dma_wait3A_384 = tpu.memref_slice %arg2[%multiple_of3A_362, %dma_wait3A_383] : memref<16384x100xi32, #tpu.memory_space<hbm>> -> memref<16x100xi32, #tpu.memory_space<hbm>>
          %dma_wait3A_385 = arith.constant 0 : i32
          %dma_wait3A_386 = tpu.memref_slice %arg2[%multiple_of3A_362, %dma_wait3A_385] : memref<16384x100xi32, #tpu.memory_space<hbm>> -> memref<16x100xi32, #tpu.memory_space<hbm>>
          tpu.wait_dma2 semaphore(%run_scoped3A : memref<!tpu.dma_semaphore, #tpu.memory_space<semaphore_mem>>) src(%dma_wait3A_386 : memref<16x100xi32, #tpu.memory_space<hbm>>) dst(%arg5 : memref<16x100xi32, #tpu.memory_space<vmem>>)
          tpu.yield
        }) : () -> ()
        %scan3A_363 = arith.constant 0 : i32
        %scan3A_364 = arith.constant 0 : i32
        %scan3A_365 = arith.constant 16 : i32
        %scan3A_366 = arith.addi %scan3A_364, %scan3A_365 : i32
        %scan3A_367 = arith.constant 1 : i32
        %scan3A_368 = scf.for %scan3A_379 = %scan3A_364 to %scan3A_366 step %scan3A_367 iter_args(%scan3A_380 = %scan3A_363) -> (i32)  : i32 {
          %mul3A_381 = arith.constant 100 : i32
          %mul3A_382 = arith.muli %scan3A_379, %mul3A_381 : i32
          %get3A = arith.index_cast %scan3A_379 : i32 to index
          %get3A_383 = arith.constant 0 : index
          %get3A_384 = tpu.vector_load %arg5[%get3A, %get3A_383] {strides = array<i32>} : memref<16x100xi32, #tpu.memory_space<vmem>>, vector<1x16xi32>,
          %get3A_385 = vector.shape_cast %get3A_384 : vector<1x16xi32> to vector<16xi32>
          %get3A_386 = arith.constant 0 : index
          %get3A_387 = tpu.vector_load %arg6[%get3A_386] {strides = array<i32>} : memref<100xi32, #tpu.memory_space<vmem>>, vector<16xi32>,
          %get3A_388 = vector.shape_cast %get3A_387 : vector<16xi32> to vector<16xi32>
          %add3A_389 = arith.addi %get3A_385, %get3A_388 : vector<16xi32>
          %add3A_390 = arith.constant 0 : i32
          %add3A_391 = arith.addi %mul3A_382, %add3A_390 : i32
          %swap3A_392 = arith.index_cast %add3A_391 : i32 to index
          %swap3A_393 = tpu.vector_load %arg7[%swap3A_392] {strides = array<i32>} : memref<1600xi32, #tpu.memory_space<vmem>>, vector<16xi32>,
          %swap3A_394 = vector.shape_cast %swap3A_393 : vector<16xi32> to vector<16xi32>
          %swap3A_395 = vector.shape_cast %add3A_389 : vector<16xi32> to vector<16xi32>
          tpu.vector_store %arg7[%swap3A_392], %swap3A_395 {strides = array<i32>} : memref<1600xi32, #tpu.memory_space<vmem>>, vector<16xi32>,
          %get3A_396 = arith.index_cast %scan3A_379 : i32 to index
          %get3A_397 = arith.constant 16 : index
          %get3A_398 = tpu.vector_load %arg5[%get3A_396, %get3A_397] {strides = array<i32>} : memref<16x100xi32, #tpu.memory_space<vmem>>, vector<1x16xi32>,
          %get3A_399 = vector.shape_cast %get3A_398 : vector<1x16xi32> to vector<16xi32>
          %get3A_400 = arith.constant 16 : index
          %get3A_401 = tpu.vector_load %arg6[%get3A_400] {strides = array<i32>} : memref<100xi32, #tpu.memory_space<vmem>>, vector<16xi32>,
          %get3A_402 = vector.shape_cast %get3A_401 : vector<16xi32> to vector<16xi32>
          %add3A_403 = arith.addi %get3A_399, %get3A_402 : vector<16xi32>
          %add3A_404 = arith.constant 16 : i32
          %add3A_405 = arith.addi %mul3A_382, %add3A_404 : i32
          %swap3A_406 = arith.index_cast %add3A_405 : i32 to index
          %swap3A_407 = tpu.vector_load %arg7[%swap3A_406] {strides = array<i32>} : memref<1600xi32, #tpu.memory_space<vmem>>, vector<16xi32>,
          %swap3A_408 = vector.shape_cast %swap3A_407 : vector<16xi32> to vector<16xi32>
          %swap3A_409 = vector.shape_cast %add3A_403 : vector<16xi32> to vector<16xi32>
          tpu.vector_store %arg7[%swap3A_406], %swap3A_409 {strides = array<i32>} : memref<1600xi32, #tpu.memory_space<vmem>>, vector<16xi32>,
          %get3A_410 = arith.index_cast %scan3A_379 : i32 to index
          %get3A_411 = arith.constant 32 : index
          %get3A_412 = tpu.vector_load %arg5[%get3A_410, %get3A_411] {strides = array<i32>} : memref<16x100xi32, #tpu.memory_space<vmem>>, vector<1x16xi32>,
          %get3A_413 = vector.shape_cast %get3A_412 : vector<1x16xi32> to vector<16xi32>
          %get3A_414 = arith.constant 32 : index
          %get3A_415 = tpu.vector_load %arg6[%get3A_414] {strides = array<i32>} : memref<100xi32, #tpu.memory_space<vmem>>, vector<16xi32>,
          %get3A_416 = vector.shape_cast %get3A_415 : vector<16xi32> to vector<16xi32>
          %add3A_417 = arith.addi %get3A_413, %get3A_416 : vector<16xi32>
          %add3A_418 = arith.constant 32 : i32
          %add3A_419 = arith.addi %mul3A_382, %add3A_418 : i32
          %swap3A_420 = arith.index_cast %add3A_419 : i32 to index
          %swap3A_421 = tpu.vector_load %arg7[%swap3A_420] {strides = array<i32>} : memref<1600xi32, #tpu.memory_space<vmem>>, vector<16xi32>,
          %swap3A_422 = vector.shape_cast %swap3A_421 : vector<16xi32> to vector<16xi32>
          %swap3A_423 = vector.shape_cast %add3A_417 : vector<16xi32> to vector<16xi32>
          tpu.vector_store %arg7[%swap3A_420], %swap3A_423 {strides = array<i32>} : memref<1600xi32, #tpu.memory_space<vmem>>, vector<16xi32>,
          %get3A_424 = arith.index_cast %scan3A_379 : i32 to index
          %get3A_425 = arith.constant 48 : index
          %get3A_426 = tpu.vector_load %arg5[%get3A_424, %get3A_425] {strides = array<i32>} : memref<16x100xi32, #tpu.memory_space<vmem>>, vector<1x16xi32>,
          %get3A_427 = vector.shape_cast %get3A_426 : vector<1x16xi32> to vector<16xi32>
          %get3A_428 = arith.constant 48 : index
          %get3A_429 = tpu.vector_load %arg6[%get3A_428] {strides = array<i32>} : memref<100xi32, #tpu.memory_space<vmem>>, vector<16xi32>,
          %get3A_430 = vector.shape_cast %get3A_429 : vector<16xi32> to vector<16xi32>
          %add3A_431 = arith.addi %get3A_427, %get3A_430 : vector<16xi32>
          %add3A_432 = arith.constant 48 : i32
          %add3A_433 = arith.addi %mul3A_382, %add3A_432 : i32
          %swap3A_434 = arith.index_cast %add3A_433 : i32 to index
          %swap3A_435 = tpu.vector_load %arg7[%swap3A_434] {strides = array<i32>} : memref<1600xi32, #tpu.memory_space<vmem>>, vector<16xi32>,
          %swap3A_436 = vector.shape_cast %swap3A_435 : vector<16xi32> to vector<16xi32>
          %swap3A_437 = vector.shape_cast %add3A_431 : vector<16xi32> to vector<16xi32>
          tpu.vector_store %arg7[%swap3A_434], %swap3A_437 {strides = array<i32>} : memref<1600xi32, #tpu.memory_space<vmem>>, vector<16xi32>,
          %get3A_438 = arith.index_cast %scan3A_379 : i32 to index
          %get3A_439 = arith.constant 64 : index
          %get3A_440 = tpu.vector_load %arg5[%get3A_438, %get3A_439] {strides = array<i32>} : memref<16x100xi32, #tpu.memory_space<vmem>>, vector<1x16xi32>,
          %get3A_441 = vector.shape_cast %get3A_440 : vector<1x16xi32> to vector<16xi32>
          %get3A_442 = arith.constant 64 : index
          %get3A_443 = tpu.vector_load %arg6[%get3A_442] {strides = array<i32>} : memref<100xi32, #tpu.memory_space<vmem>>, vector<16xi32>,
          %get3A_444 = vector.shape_cast %get3A_443 : vector<16xi32> to vector<16xi32>
          %add3A_445 = arith.addi %get3A_441, %get3A_444 : vector<16xi32>
          %add3A_446 = arith.constant 64 : i32
          %add3A_447 = arith.addi %mul3A_382, %add3A_446 : i32
          %swap3A_448 = arith.index_cast %add3A_447 : i32 to index
          %swap3A_449 = tpu.vector_load %arg7[%swap3A_448] {strides = array<i32>} : memref<1600xi32, #tpu.memory_space<vmem>>, vector<16xi32>,
          %swap3A_450 = vector.shape_cast %swap3A_449 : vector<16xi32> to vector<16xi32>
          %swap3A_451 = vector.shape_cast %add3A_445 : vector<16xi32> to vector<16xi32>
          tpu.vector_store %arg7[%swap3A_448], %swap3A_451 {strides = array<i32>} : memref<1600xi32, #tpu.memory_space<vmem>>, vector<16xi32>,
          %get3A_452 = arith.index_cast %scan3A_379 : i32 to index
          %get3A_453 = arith.constant 80 : index
          %get3A_454 = tpu.vector_load %arg5[%get3A_452, %get3A_453] {strides = array<i32>} : memref<16x100xi32, #tpu.memory_space<vmem>>, vector<1x16xi32>,
          %get3A_455 = vector.shape_cast %get3A_454 : vector<1x16xi32> to vector<16xi32>
          %get3A_456 = arith.constant 80 : index
          %get3A_457 = tpu.vector_load %arg6[%get3A_456] {strides = array<i32>} : memref<100xi32, #tpu.memory_space<vmem>>, vector<16xi32>,
          %get3A_458 = vector.shape_cast %get3A_457 : vector<16xi32> to vector<16xi32>
          %add3A_459 = arith.addi %get3A_455, %get3A_458 : vector<16xi32>
          %add3A_460 = arith.constant 80 : i32
          %add3A_461 = arith.addi %mul3A_382, %add3A_460 : i32
          %swap3A_462 = arith.index_cast %add3A_461 : i32 to index
          %swap3A_463 = tpu.vector_load %arg7[%swap3A_462] {strides = array<i32>} : memref<1600xi32, #tpu.memory_space<vmem>>, vector<16xi32>,
          %swap3A_464 = vector.shape_cast %swap3A_463 : vector<16xi32> to vector<16xi32>
          %swap3A_465 = vector.shape_cast %add3A_459 : vector<16xi32> to vector<16xi32>
          tpu.vector_store %arg7[%swap3A_462], %swap3A_465 {strides = array<i32>} : memref<1600xi32, #tpu.memory_space<vmem>>, vector<16xi32>,
          %get3A_466 = arith.index_cast %scan3A_379 : i32 to index
          %get3A_467 = arith.constant 84 : index
          %get3A_468 = tpu.vector_load %arg5[%get3A_466, %get3A_467] {strides = array<i32>} : memref<16x100xi32, #tpu.memory_space<vmem>>, vector<1x16xi32>,
          %get3A_469 = vector.shape_cast %get3A_468 : vector<1x16xi32> to vector<16xi32>
          %get3A_470 = arith.constant 84 : index
          %get3A_471 = tpu.vector_load %arg6[%get3A_470] {strides = array<i32>} : memref<100xi32, #tpu.memory_space<vmem>>, vector<16xi32>,
          %get3A_472 = vector.shape_cast %get3A_471 : vector<16xi32> to vector<16xi32>
          %add3A_473 = arith.addi %get3A_469, %get3A_472 : vector<16xi32>
          %add3A_474 = arith.constant 84 : i32
          %add3A_475 = arith.addi %mul3A_382, %add3A_474 : i32
          %swap3A_476 = arith.index_cast %add3A_475 : i32 to index
          %swap3A_477 = tpu.vector_load %arg7[%swap3A_476] {strides = array<i32>} : memref<1600xi32, #tpu.memory_space<vmem>>, vector<16xi32>,
          %swap3A_478 = vector.shape_cast %swap3A_477 : vector<16xi32> to vector<16xi32>
          %swap3A_479 = vector.shape_cast %add3A_473 : vector<16xi32> to vector<16xi32>
          tpu.vector_store %arg7[%swap3A_476], %swap3A_479 {strides = array<i32>} : memref<1600xi32, #tpu.memory_space<vmem>>, vector<16xi32>,
          %scan3A_480 = arith.constant 0 : i32
          scf.yield %scan3A_480 : i32
        }
        %scan3A_369 = arith.constant 16 : i32
        %dma_wait3A_370 = arith.constant 0 : i32
        %dma_wait3A_371 = arith.constant 0 : i32
        %dma_wait3A_372 = tpu.memref_slice %arg4[%dma_wait3A_370, %dma_wait3A_371] : memref<1638400x16xf32, #tpu.memory_space<hbm>> -> memref<1600x16xf32, #tpu.memory_space<hbm>>
        %dma_wait3A_373 = arith.constant 0 : i32
        %dma_wait3A_374 = arith.constant 0 : i32
        %dma_wait3A_375 = tpu.memref_slice %arg4[%dma_wait3A_373, %dma_wait3A_374] : memref<1638400x16xf32, #tpu.memory_space<hbm>> -> memref<1600x16xf32, #tpu.memory_space<hbm>>
        tpu.wait_dma2 semaphore(%arg19 : memref<!tpu.dma_semaphore, #tpu.memory_space<semaphore_mem>>) src(%arg11 : memref<1600x16xf32, #tpu.memory_space<vmem>>) dst(%dma_wait3A_375 : memref<1600x16xf32, #tpu.memory_space<hbm>>)
        %dma_start3A_376 = arith.constant 0 : i32
        %dma_start3A_377 = arith.constant 0 : i32
        %dma_start3A_378 = tpu.memref_slice %arg3[%dma_start3A_376, %dma_start3A_377] : memref<102400x16xf32, #tpu.memory_space<hbm>> -> memref<102400x16xf32, #tpu.memory_space<hbm>>
        tpu.enqueue_indirect_dma source(%dma_start3A_378 : memref<102400x16xf32, #tpu.memory_space<hbm>>) target(%arg11 : memref<1600x16xf32, #tpu.memory_space<vmem>>) offsets(%arg7 : memref<1600xi32, #tpu.memory_space<vmem>>) semaphore(%arg15 : memref<!tpu.dma_semaphore, #tpu.memory_space<semaphore_mem>>)
      } else {
      }
      %mul3A_266 = arith.constant 4 : i32
      %mul3A_267 = arith.muli %scan3A_245, %mul3A_266 : i32
      %add3A_268 = arith.constant 1 : i32
      %add3A_269 = arith.addi %mul3A_267, %add3A_268 : i32
      %dma_wait3A_270 = arith.constant 0 : i32
      %dma_wait3A_271 = arith.constant 0 : i32
      %dma_wait3A_272 = tpu.memref_slice %arg3[%dma_wait3A_270, %dma_wait3A_271] : memref<102400x16xf32, #tpu.memory_space<hbm>> -> memref<102400x16xf32, #tpu.memory_space<hbm>>
      tpu.wait_indirect_dma semaphore(%arg16 : memref<!tpu.dma_semaphore, #tpu.memory_space<semaphore_mem>>) src(%dma_wait3A_272 : memref<102400x16xf32, #tpu.memory_space<hbm>>) dst(%arg12 : memref<1600x16xf32, #tpu.memory_space<vmem>>)
      %mul3A_273 = arith.constant 1600 : i32
      %mul3A_274 = arith.muli %add3A_269, %mul3A_273 : i32
      %add3A_275 = arith.addi %mul3A_2, %mul3A_274 : i32
      %multiple_of3A_276 = tpu.assume_multiple %add3A_275, 8 : i32
      %dma_start3A_277 = arith.constant 0 : i32
      %dma_start3A_278 = tpu.memref_slice %arg4[%multiple_of3A_276, %dma_start3A_277] : memref<1638400x16xf32, #tpu.memory_space<hbm>> -> memref<1600x16xf32, #tpu.memory_space<hbm>>
      %dma_start3A_279 = arith.constant 0 : i32
      %dma_start3A_280 = tpu.memref_slice %arg4[%multiple_of3A_276, %dma_start3A_279] : memref<1638400x16xf32, #tpu.memory_space<hbm>> -> memref<1600x16xf32, #tpu.memory_space<hbm>>
      tpu.enqueue_dma source(%arg12 : memref<1600x16xf32, #tpu.memory_space<vmem>>) target(%dma_start3A_280 : memref<1600x16xf32, #tpu.memory_space<hbm>>) target_semaphore(%arg20 : memref<!tpu.dma_semaphore, #tpu.memory_space<semaphore_mem>>)
      %add3A_281 = arith.constant 4 : i32
      %add3A_282 = arith.addi %add3A_269, %add3A_281 : i32
      %lt3A_283 = arith.constant 32 : i32
      %lt3A_284 = arith.cmpi slt, %add3A_282, %lt3A_283 : i32
      %convert_element_type3A_285 = arith.extui %lt3A_284 : i1 to i32
      %cond3A_286 = arith.constant 0 : i32
      %cond3A_287 = arith.cmpi ne, %convert_element_type3A_285, %cond3A_286 : i32
      scf.if %cond3A_287 {
        %add3A_333 = arith.constant 4 : i32
        %add3A_334 = arith.addi %add3A_269, %add3A_333 : i32
        %mul3A_335 = arith.constant 1600 : i32
        %mul3A_336 = arith.muli %add3A_334, %mul3A_335 : i32
        %add3A_337 = arith.addi %mul3A_2, %mul3A_336 : i32
        %jit3A_338 = arith.constant 100 : i32
        %div3A_339 = arith.divsi %add3A_337, %jit3A_338 : i32
        %sign3A_340 = arith.constant 0 : i32
        %sign3A_341 = arith.cmpi sgt, %add3A_337, %sign3A_340 : i32
        %sign3A_342 = arith.extui %sign3A_341 : i1 to i32
        %sign3A_343 = arith.constant 0 : i32
        %sign3A_344 = arith.cmpi slt, %add3A_337, %sign3A_343 : i32
        %sign3A_345 = arith.extui %sign3A_344 : i1 to i32
        %sign3A_346 = arith.subi %sign3A_342, %sign3A_345 : i32
        %sign3A_347 = arith.constant 0 : i32
        %sign3A_348 = arith.cmpi sgt, %jit3A_338, %sign3A_347 : i32
        %sign3A_349 = arith.extui %sign3A_348 : i1 to i32
        %sign3A_350 = arith.constant 0 : i32
        %sign3A_351 = arith.cmpi slt, %jit3A_338, %sign3A_350 : i32
        %sign3A_352 = arith.extui %sign3A_351 : i1 to i32
        %sign3A_353 = arith.subi %sign3A_349, %sign3A_352 : i32
        %ne3A_354 = arith.cmpi ne, %sign3A_346, %sign3A_353 : i32
        %rem3A_355 = arith.remsi %add3A_337, %jit3A_338 : i32
        %ne3A_356 = arith.constant 0 : i32
        %ne3A_357 = arith.cmpi ne, %rem3A_355, %ne3A_356 : i32
        %and3A_358 = arith.andi %ne3A_354, %ne3A_357 : i1
        %sub3A_359 = arith.constant 1 : i32
        %sub3A_360 = arith.subi %div3A_339, %sub3A_359 : i32
        %select_n3A_361 = arith.select %and3A_358, %sub3A_360, %div3A_339 : i32
        %multiple_of3A_362 = tpu.assume_multiple %select_n3A_361, 8 : i32
        "tpu.region"() ({
          %run_scoped3A = tpu.sem_alloc : memref<!tpu.dma_semaphore, #tpu.memory_space<semaphore_mem>>
          %dma_start3A_379 = arith.constant 0 : i32
          %dma_start3A_380 = tpu.memref_slice %arg2[%multiple_of3A_362, %dma_start3A_379] : memref<16384x100xi32, #tpu.memory_space<hbm>> -> memref<16x100xi32, #tpu.memory_space<hbm>>
          %dma_start3A_381 = arith.constant 0 : i32
          %dma_start3A_382 = tpu.memref_slice %arg2[%multiple_of3A_362, %dma_start3A_381] : memref<16384x100xi32, #tpu.memory_space<hbm>> -> memref<16x100xi32, #tpu.memory_space<hbm>>
          tpu.enqueue_dma source(%dma_start3A_382 : memref<16x100xi32, #tpu.memory_space<hbm>>) target(%arg5 : memref<16x100xi32, #tpu.memory_space<vmem>>) target_semaphore(%run_scoped3A : memref<!tpu.dma_semaphore, #tpu.memory_space<semaphore_mem>>)
          %dma_wait3A_383 = arith.constant 0 : i32
          %dma_wait3A_384 = tpu.memref_slice %arg2[%multiple_of3A_362, %dma_wait3A_383] : memref<16384x100xi32, #tpu.memory_space<hbm>> -> memref<16x100xi32, #tpu.memory_space<hbm>>
          %dma_wait3A_385 = arith.constant 0 : i32
          %dma_wait3A_386 = tpu.memref_slice %arg2[%multiple_of3A_362, %dma_wait3A_385] : memref<16384x100xi32, #tpu.memory_space<hbm>> -> memref<16x100xi32, #tpu.memory_space<hbm>>
          tpu.wait_dma2 semaphore(%run_scoped3A : memref<!tpu.dma_semaphore, #tpu.memory_space<semaphore_mem>>) src(%dma_wait3A_386 : memref<16x100xi32, #tpu.memory_space<hbm>>) dst(%arg5 : memref<16x100xi32, #tpu.memory_space<vmem>>)
          tpu.yield
        }) : () -> ()
        %scan3A_363 = arith.constant 0 : i32
        %scan3A_364 = arith.constant 0 : i32
        %scan3A_365 = arith.constant 16 : i32
        %scan3A_366 = arith.addi %scan3A_364, %scan3A_365 : i32
        %scan3A_367 = arith.constant 1 : i32
        %scan3A_368 = scf.for %scan3A_379 = %scan3A_364 to %scan3A_366 step %scan3A_367 iter_args(%scan3A_380 = %scan3A_363) -> (i32)  : i32 {
          %mul3A_381 = arith.constant 100 : i32
          %mul3A_382 = arith.muli %scan3A_379, %mul3A_381 : i32
          %get3A = arith.index_cast %scan3A_379 : i32 to index
          %get3A_383 = arith.constant 0 : index
          %get3A_384 = tpu.vector_load %arg5[%get3A, %get3A_383] {strides = array<i32>} : memref<16x100xi32, #tpu.memory_space<vmem>>, vector<1x16xi32>,
          %get3A_385 = vector.shape_cast %get3A_384 : vector<1x16xi32> to vector<16xi32>
          %get3A_386 = arith.constant 0 : index
          %get3A_387 = tpu.vector_load %arg6[%get3A_386] {strides = array<i32>} : memref<100xi32, #tpu.memory_space<vmem>>, vector<16xi32>,
          %get3A_388 = vector.shape_cast %get3A_387 : vector<16xi32> to vector<16xi32>
          %add3A_389 = arith.addi %get3A_385, %get3A_388 : vector<16xi32>
          %add3A_390 = arith.constant 0 : i32
          %add3A_391 = arith.addi %mul3A_382, %add3A_390 : i32
          %swap3A_392 = arith.index_cast %add3A_391 : i32 to index
          %swap3A_393 = tpu.vector_load %arg8[%swap3A_392] {strides = array<i32>} : memref<1600xi32, #tpu.memory_space<vmem>>, vector<16xi32>,
          %swap3A_394 = vector.shape_cast %swap3A_393 : vector<16xi32> to vector<16xi32>
          %swap3A_395 = vector.shape_cast %add3A_389 : vector<16xi32> to vector<16xi32>
          tpu.vector_store %arg8[%swap3A_392], %swap3A_395 {strides = array<i32>} : memref<1600xi32, #tpu.memory_space<vmem>>, vector<16xi32>,
          %get3A_396 = arith.index_cast %scan3A_379 : i32 to index
          %get3A_397 = arith.constant 16 : index
          %get3A_398 = tpu.vector_load %arg5[%get3A_396, %get3A_397] {strides = array<i32>} : memref<16x100xi32, #tpu.memory_space<vmem>>, vector<1x16xi32>,
          %get3A_399 = vector.shape_cast %get3A_398 : vector<1x16xi32> to vector<16xi32>
          %get3A_400 = arith.constant 16 : index
          %get3A_401 = tpu.vector_load %arg6[%get3A_400] {strides = array<i32>} : memref<100xi32, #tpu.memory_space<vmem>>, vector<16xi32>,
          %get3A_402 = vector.shape_cast %get3A_401 : vector<16xi32> to vector<16xi32>
          %add3A_403 = arith.addi %get3A_399, %get3A_402 : vector<16xi32>
          %add3A_404 = arith.constant 16 : i32
          %add3A_405 = arith.addi %mul3A_382, %add3A_404 : i32
          %swap3A_406 = arith.index_cast %add3A_405 : i32 to index
          %swap3A_407 = tpu.vector_load %arg8[%swap3A_406] {strides = array<i32>} : memref<1600xi32, #tpu.memory_space<vmem>>, vector<16xi32>,
          %swap3A_408 = vector.shape_cast %swap3A_407 : vector<16xi32> to vector<16xi32>
          %swap3A_409 = vector.shape_cast %add3A_403 : vector<16xi32> to vector<16xi32>
          tpu.vector_store %arg8[%swap3A_406], %swap3A_409 {strides = array<i32>} : memref<1600xi32, #tpu.memory_space<vmem>>, vector<16xi32>,
          %get3A_410 = arith.index_cast %scan3A_379 : i32 to index
          %get3A_411 = arith.constant 32 : index
          %get3A_412 = tpu.vector_load %arg5[%get3A_410, %get3A_411] {strides = array<i32>} : memref<16x100xi32, #tpu.memory_space<vmem>>, vector<1x16xi32>,
          %get3A_413 = vector.shape_cast %get3A_412 : vector<1x16xi32> to vector<16xi32>
          %get3A_414 = arith.constant 32 : index
          %get3A_415 = tpu.vector_load %arg6[%get3A_414] {strides = array<i32>} : memref<100xi32, #tpu.memory_space<vmem>>, vector<16xi32>,
          %get3A_416 = vector.shape_cast %get3A_415 : vector<16xi32> to vector<16xi32>
          %add3A_417 = arith.addi %get3A_413, %get3A_416 : vector<16xi32>
          %add3A_418 = arith.constant 32 : i32
          %add3A_419 = arith.addi %mul3A_382, %add3A_418 : i32
          %swap3A_420 = arith.index_cast %add3A_419 : i32 to index
          %swap3A_421 = tpu.vector_load %arg8[%swap3A_420] {strides = array<i32>} : memref<1600xi32, #tpu.memory_space<vmem>>, vector<16xi32>,
          %swap3A_422 = vector.shape_cast %swap3A_421 : vector<16xi32> to vector<16xi32>
          %swap3A_423 = vector.shape_cast %add3A_417 : vector<16xi32> to vector<16xi32>
          tpu.vector_store %arg8[%swap3A_420], %swap3A_423 {strides = array<i32>} : memref<1600xi32, #tpu.memory_space<vmem>>, vector<16xi32>,
          %get3A_424 = arith.index_cast %scan3A_379 : i32 to index
          %get3A_425 = arith.constant 48 : index
          %get3A_426 = tpu.vector_load %arg5[%get3A_424, %get3A_425] {strides = array<i32>} : memref<16x100xi32, #tpu.memory_space<vmem>>, vector<1x16xi32>,
          %get3A_427 = vector.shape_cast %get3A_426 : vector<1x16xi32> to vector<16xi32>
          %get3A_428 = arith.constant 48 : index
          %get3A_429 = tpu.vector_load %arg6[%get3A_428] {strides = array<i32>} : memref<100xi32, #tpu.memory_space<vmem>>, vector<16xi32>,
          %get3A_430 = vector.shape_cast %get3A_429 : vector<16xi32> to vector<16xi32>
          %add3A_431 = arith.addi %get3A_427, %get3A_430 : vector<16xi32>
          %add3A_432 = arith.constant 48 : i32
          %add3A_433 = arith.addi %mul3A_382, %add3A_432 : i32
          %swap3A_434 = arith.index_cast %add3A_433 : i32 to index
          %swap3A_435 = tpu.vector_load %arg8[%swap3A_434] {strides = array<i32>} : memref<1600xi32, #tpu.memory_space<vmem>>, vector<16xi32>,
          %swap3A_436 = vector.shape_cast %swap3A_435 : vector<16xi32> to vector<16xi32>
          %swap3A_437 = vector.shape_cast %add3A_431 : vector<16xi32> to vector<16xi32>
          tpu.vector_store %arg8[%swap3A_434], %swap3A_437 {strides = array<i32>} : memref<1600xi32, #tpu.memory_space<vmem>>, vector<16xi32>,
          %get3A_438 = arith.index_cast %scan3A_379 : i32 to index
          %get3A_439 = arith.constant 64 : index
          %get3A_440 = tpu.vector_load %arg5[%get3A_438, %get3A_439] {strides = array<i32>} : memref<16x100xi32, #tpu.memory_space<vmem>>, vector<1x16xi32>,
          %get3A_441 = vector.shape_cast %get3A_440 : vector<1x16xi32> to vector<16xi32>
          %get3A_442 = arith.constant 64 : index
          %get3A_443 = tpu.vector_load %arg6[%get3A_442] {strides = array<i32>} : memref<100xi32, #tpu.memory_space<vmem>>, vector<16xi32>,
          %get3A_444 = vector.shape_cast %get3A_443 : vector<16xi32> to vector<16xi32>
          %add3A_445 = arith.addi %get3A_441, %get3A_444 : vector<16xi32>
          %add3A_446 = arith.constant 64 : i32
          %add3A_447 = arith.addi %mul3A_382, %add3A_446 : i32
          %swap3A_448 = arith.index_cast %add3A_447 : i32 to index
          %swap3A_449 = tpu.vector_load %arg8[%swap3A_448] {strides = array<i32>} : memref<1600xi32, #tpu.memory_space<vmem>>, vector<16xi32>,
          %swap3A_450 = vector.shape_cast %swap3A_449 : vector<16xi32> to vector<16xi32>
          %swap3A_451 = vector.shape_cast %add3A_445 : vector<16xi32> to vector<16xi32>
          tpu.vector_store %arg8[%swap3A_448], %swap3A_451 {strides = array<i32>} : memref<1600xi32, #tpu.memory_space<vmem>>, vector<16xi32>,
          %get3A_452 = arith.index_cast %scan3A_379 : i32 to index
          %get3A_453 = arith.constant 80 : index
          %get3A_454 = tpu.vector_load %arg5[%get3A_452, %get3A_453] {strides = array<i32>} : memref<16x100xi32, #tpu.memory_space<vmem>>, vector<1x16xi32>,
          %get3A_455 = vector.shape_cast %get3A_454 : vector<1x16xi32> to vector<16xi32>
          %get3A_456 = arith.constant 80 : index
          %get3A_457 = tpu.vector_load %arg6[%get3A_456] {strides = array<i32>} : memref<100xi32, #tpu.memory_space<vmem>>, vector<16xi32>,
          %get3A_458 = vector.shape_cast %get3A_457 : vector<16xi32> to vector<16xi32>
          %add3A_459 = arith.addi %get3A_455, %get3A_458 : vector<16xi32>
          %add3A_460 = arith.constant 80 : i32
          %add3A_461 = arith.addi %mul3A_382, %add3A_460 : i32
          %swap3A_462 = arith.index_cast %add3A_461 : i32 to index
          %swap3A_463 = tpu.vector_load %arg8[%swap3A_462] {strides = array<i32>} : memref<1600xi32, #tpu.memory_space<vmem>>, vector<16xi32>,
          %swap3A_464 = vector.shape_cast %swap3A_463 : vector<16xi32> to vector<16xi32>
          %swap3A_465 = vector.shape_cast %add3A_459 : vector<16xi32> to vector<16xi32>
          tpu.vector_store %arg8[%swap3A_462], %swap3A_465 {strides = array<i32>} : memref<1600xi32, #tpu.memory_space<vmem>>, vector<16xi32>,
          %get3A_466 = arith.index_cast %scan3A_379 : i32 to index
          %get3A_467 = arith.constant 84 : index
          %get3A_468 = tpu.vector_load %arg5[%get3A_466, %get3A_467] {strides = array<i32>} : memref<16x100xi32, #tpu.memory_space<vmem>>, vector<1x16xi32>,
          %get3A_469 = vector.shape_cast %get3A_468 : vector<1x16xi32> to vector<16xi32>
          %get3A_470 = arith.constant 84 : index
          %get3A_471 = tpu.vector_load %arg6[%get3A_470] {strides = array<i32>} : memref<100xi32, #tpu.memory_space<vmem>>, vector<16xi32>,
          %get3A_472 = vector.shape_cast %get3A_471 : vector<16xi32> to vector<16xi32>
          %add3A_473 = arith.addi %get3A_469, %get3A_472 : vector<16xi32>
          %add3A_474 = arith.constant 84 : i32
          %add3A_475 = arith.addi %mul3A_382, %add3A_474 : i32
          %swap3A_476 = arith.index_cast %add3A_475 : i32 to index
          %swap3A_477 = tpu.vector_load %arg8[%swap3A_476] {strides = array<i32>} : memref<1600xi32, #tpu.memory_space<vmem>>, vector<16xi32>,
          %swap3A_478 = vector.shape_cast %swap3A_477 : vector<16xi32> to vector<16xi32>
          %swap3A_479 = vector.shape_cast %add3A_473 : vector<16xi32> to vector<16xi32>
          tpu.vector_store %arg8[%swap3A_476], %swap3A_479 {strides = array<i32>} : memref<1600xi32, #tpu.memory_space<vmem>>, vector<16xi32>,
          %scan3A_480 = arith.constant 0 : i32
          scf.yield %scan3A_480 : i32
        }
        %scan3A_369 = arith.constant 16 : i32
        %dma_wait3A_370 = arith.constant 0 : i32
        %dma_wait3A_371 = arith.constant 0 : i32
        %dma_wait3A_372 = tpu.memref_slice %arg4[%dma_wait3A_370, %dma_wait3A_371] : memref<1638400x16xf32, #tpu.memory_space<hbm>> -> memref<1600x16xf32, #tpu.memory_space<hbm>>
        %dma_wait3A_373 = arith.constant 0 : i32
        %dma_wait3A_374 = arith.constant 0 : i32
        %dma_wait3A_375 = tpu.memref_slice %arg4[%dma_wait3A_373, %dma_wait3A_374] : memref<1638400x16xf32, #tpu.memory_space<hbm>> -> memref<1600x16xf32, #tpu.memory_space<hbm>>
        tpu.wait_dma2 semaphore(%arg20 : memref<!tpu.dma_semaphore, #tpu.memory_space<semaphore_mem>>) src(%arg12 : memref<1600x16xf32, #tpu.memory_space<vmem>>) dst(%dma_wait3A_375 : memref<1600x16xf32, #tpu.memory_space<hbm>>)
        %dma_start3A_376 = arith.constant 0 : i32
        %dma_start3A_377 = arith.constant 0 : i32
        %dma_start3A_378 = tpu.memref_slice %arg3[%dma_start3A_376, %dma_start3A_377] : memref<102400x16xf32, #tpu.memory_space<hbm>> -> memref<102400x16xf32, #tpu.memory_space<hbm>>
        tpu.enqueue_indirect_dma source(%dma_start3A_378 : memref<102400x16xf32, #tpu.memory_space<hbm>>) target(%arg12 : memref<1600x16xf32, #tpu.memory_space<vmem>>) offsets(%arg8 : memref<1600xi32, #tpu.memory_space<vmem>>) semaphore(%arg16 : memref<!tpu.dma_semaphore, #tpu.memory_space<semaphore_mem>>)
      } else {
      }
      %mul3A_288 = arith.constant 4 : i32
      %mul3A_289 = arith.muli %scan3A_245, %mul3A_288 : i32
      %add3A_290 = arith.constant 2 : i32
      %add3A_291 = arith.addi %mul3A_289, %add3A_290 : i32
      %dma_wait3A_292 = arith.constant 0 : i32
      %dma_wait3A_293 = arith.constant 0 : i32
      %dma_wait3A_294 = tpu.memref_slice %arg3[%dma_wait3A_292, %dma_wait3A_293] : memref<102400x16xf32, #tpu.memory_space<hbm>> -> memref<102400x16xf32, #tpu.memory_space<hbm>>
      tpu.wait_indirect_dma semaphore(%arg17 : memref<!tpu.dma_semaphore, #tpu.memory_space<semaphore_mem>>) src(%dma_wait3A_294 : memref<102400x16xf32, #tpu.memory_space<hbm>>) dst(%arg13 : memref<1600x16xf32, #tpu.memory_space<vmem>>)
      %mul3A_295 = arith.constant 1600 : i32
      %mul3A_296 = arith.muli %add3A_291, %mul3A_295 : i32
      %add3A_297 = arith.addi %mul3A_2, %mul3A_296 : i32
      %multiple_of3A_298 = tpu.assume_multiple %add3A_297, 8 : i32
      %dma_start3A_299 = arith.constant 0 : i32
      %dma_start3A_300 = tpu.memref_slice %arg4[%multiple_of3A_298, %dma_start3A_299] : memref<1638400x16xf32, #tpu.memory_space<hbm>> -> memref<1600x16xf32, #tpu.memory_space<hbm>>
      %dma_start3A_301 = arith.constant 0 : i32
      %dma_start3A_302 = tpu.memref_slice %arg4[%multiple_of3A_298, %dma_start3A_301] : memref<1638400x16xf32, #tpu.memory_space<hbm>> -> memref<1600x16xf32, #tpu.memory_space<hbm>>
      tpu.enqueue_dma source(%arg13 : memref<1600x16xf32, #tpu.memory_space<vmem>>) target(%dma_start3A_302 : memref<1600x16xf32, #tpu.memory_space<hbm>>) target_semaphore(%arg21 : memref<!tpu.dma_semaphore, #tpu.memory_space<semaphore_mem>>)
      %add3A_303 = arith.constant 4 : i32
      %add3A_304 = arith.addi %add3A_291, %add3A_303 : i32
      %lt3A_305 = arith.constant 32 : i32
      %lt3A_306 = arith.cmpi slt, %add3A_304, %lt3A_305 : i32
      %convert_element_type3A_307 = arith.extui %lt3A_306 : i1 to i32
      %cond3A_308 = arith.constant 0 : i32
      %cond3A_309 = arith.cmpi ne, %convert_element_type3A_307, %cond3A_308 : i32
      scf.if %cond3A_309 {
        %add3A_333 = arith.constant 4 : i32
        %add3A_334 = arith.addi %add3A_291, %add3A_333 : i32
        %mul3A_335 = arith.constant 1600 : i32
        %mul3A_336 = arith.muli %add3A_334, %mul3A_335 : i32
        %add3A_337 = arith.addi %mul3A_2, %mul3A_336 : i32
        %jit3A_338 = arith.constant 100 : i32
        %div3A_339 = arith.divsi %add3A_337, %jit3A_338 : i32
        %sign3A_340 = arith.constant 0 : i32
        %sign3A_341 = arith.cmpi sgt, %add3A_337, %sign3A_340 : i32
        %sign3A_342 = arith.extui %sign3A_341 : i1 to i32
        %sign3A_343 = arith.constant 0 : i32
        %sign3A_344 = arith.cmpi slt, %add3A_337, %sign3A_343 : i32
        %sign3A_345 = arith.extui %sign3A_344 : i1 to i32
        %sign3A_346 = arith.subi %sign3A_342, %sign3A_345 : i32
        %sign3A_347 = arith.constant 0 : i32
        %sign3A_348 = arith.cmpi sgt, %jit3A_338, %sign3A_347 : i32
        %sign3A_349 = arith.extui %sign3A_348 : i1 to i32
        %sign3A_350 = arith.constant 0 : i32
        %sign3A_351 = arith.cmpi slt, %jit3A_338, %sign3A_350 : i32
        %sign3A_352 = arith.extui %sign3A_351 : i1 to i32
        %sign3A_353 = arith.subi %sign3A_349, %sign3A_352 : i32
        %ne3A_354 = arith.cmpi ne, %sign3A_346, %sign3A_353 : i32
        %rem3A_355 = arith.remsi %add3A_337, %jit3A_338 : i32
        %ne3A_356 = arith.constant 0 : i32
        %ne3A_357 = arith.cmpi ne, %rem3A_355, %ne3A_356 : i32
        %and3A_358 = arith.andi %ne3A_354, %ne3A_357 : i1
        %sub3A_359 = arith.constant 1 : i32
        %sub3A_360 = arith.subi %div3A_339, %sub3A_359 : i32
        %select_n3A_361 = arith.select %and3A_358, %sub3A_360, %div3A_339 : i32
        %multiple_of3A_362 = tpu.assume_multiple %select_n3A_361, 8 : i32
        "tpu.region"() ({
          %run_scoped3A = tpu.sem_alloc : memref<!tpu.dma_semaphore, #tpu.memory_space<semaphore_mem>>
          %dma_start3A_379 = arith.constant 0 : i32
          %dma_start3A_380 = tpu.memref_slice %arg2[%multiple_of3A_362, %dma_start3A_379] : memref<16384x100xi32, #tpu.memory_space<hbm>> -> memref<16x100xi32, #tpu.memory_space<hbm>>
          %dma_start3A_381 = arith.constant 0 : i32
          %dma_start3A_382 = tpu.memref_slice %arg2[%multiple_of3A_362, %dma_start3A_381] : memref<16384x100xi32, #tpu.memory_space<hbm>> -> memref<16x100xi32, #tpu.memory_space<hbm>>
          tpu.enqueue_dma source(%dma_start3A_382 : memref<16x100xi32, #tpu.memory_space<hbm>>) target(%arg5 : memref<16x100xi32, #tpu.memory_space<vmem>>) target_semaphore(%run_scoped3A : memref<!tpu.dma_semaphore, #tpu.memory_space<semaphore_mem>>)
          %dma_wait3A_383 = arith.constant 0 : i32
          %dma_wait3A_384 = tpu.memref_slice %arg2[%multiple_of3A_362, %dma_wait3A_383] : memref<16384x100xi32, #tpu.memory_space<hbm>> -> memref<16x100xi32, #tpu.memory_space<hbm>>
          %dma_wait3A_385 = arith.constant 0 : i32
          %dma_wait3A_386 = tpu.memref_slice %arg2[%multiple_of3A_362, %dma_wait3A_385] : memref<16384x100xi32, #tpu.memory_space<hbm>> -> memref<16x100xi32, #tpu.memory_space<hbm>>
          tpu.wait_dma2 semaphore(%run_scoped3A : memref<!tpu.dma_semaphore, #tpu.memory_space<semaphore_mem>>) src(%dma_wait3A_386 : memref<16x100xi32, #tpu.memory_space<hbm>>) dst(%arg5 : memref<16x100xi32, #tpu.memory_space<vmem>>)
          tpu.yield
        }) : () -> ()
        %scan3A_363 = arith.constant 0 : i32
        %scan3A_364 = arith.constant 0 : i32
        %scan3A_365 = arith.constant 16 : i32
        %scan3A_366 = arith.addi %scan3A_364, %scan3A_365 : i32
        %scan3A_367 = arith.constant 1 : i32
        %scan3A_368 = scf.for %scan3A_379 = %scan3A_364 to %scan3A_366 step %scan3A_367 iter_args(%scan3A_380 = %scan3A_363) -> (i32)  : i32 {
          %mul3A_381 = arith.constant 100 : i32
          %mul3A_382 = arith.muli %scan3A_379, %mul3A_381 : i32
          %get3A = arith.index_cast %scan3A_379 : i32 to index
          %get3A_383 = arith.constant 0 : index
          %get3A_384 = tpu.vector_load %arg5[%get3A, %get3A_383] {strides = array<i32>} : memref<16x100xi32, #tpu.memory_space<vmem>>, vector<1x16xi32>,
          %get3A_385 = vector.shape_cast %get3A_384 : vector<1x16xi32> to vector<16xi32>
          %get3A_386 = arith.constant 0 : index
          %get3A_387 = tpu.vector_load %arg6[%get3A_386] {strides = array<i32>} : memref<100xi32, #tpu.memory_space<vmem>>, vector<16xi32>,
          %get3A_388 = vector.shape_cast %get3A_387 : vector<16xi32> to vector<16xi32>
          %add3A_389 = arith.addi %get3A_385, %get3A_388 : vector<16xi32>
          %add3A_390 = arith.constant 0 : i32
          %add3A_391 = arith.addi %mul3A_382, %add3A_390 : i32
          %swap3A_392 = arith.index_cast %add3A_391 : i32 to index
          %swap3A_393 = tpu.vector_load %arg9[%swap3A_392] {strides = array<i32>} : memref<1600xi32, #tpu.memory_space<vmem>>, vector<16xi32>,
          %swap3A_394 = vector.shape_cast %swap3A_393 : vector<16xi32> to vector<16xi32>
          %swap3A_395 = vector.shape_cast %add3A_389 : vector<16xi32> to vector<16xi32>
          tpu.vector_store %arg9[%swap3A_392], %swap3A_395 {strides = array<i32>} : memref<1600xi32, #tpu.memory_space<vmem>>, vector<16xi32>,
          %get3A_396 = arith.index_cast %scan3A_379 : i32 to index
          %get3A_397 = arith.constant 16 : index
          %get3A_398 = tpu.vector_load %arg5[%get3A_396, %get3A_397] {strides = array<i32>} : memref<16x100xi32, #tpu.memory_space<vmem>>, vector<1x16xi32>,
          %get3A_399 = vector.shape_cast %get3A_398 : vector<1x16xi32> to vector<16xi32>
          %get3A_400 = arith.constant 16 : index
          %get3A_401 = tpu.vector_load %arg6[%get3A_400] {strides = array<i32>} : memref<100xi32, #tpu.memory_space<vmem>>, vector<16xi32>,
          %get3A_402 = vector.shape_cast %get3A_401 : vector<16xi32> to vector<16xi32>
          %add3A_403 = arith.addi %get3A_399, %get3A_402 : vector<16xi32>
          %add3A_404 = arith.constant 16 : i32
          %add3A_405 = arith.addi %mul3A_382, %add3A_404 : i32
          %swap3A_406 = arith.index_cast %add3A_405 : i32 to index
          %swap3A_407 = tpu.vector_load %arg9[%swap3A_406] {strides = array<i32>} : memref<1600xi32, #tpu.memory_space<vmem>>, vector<16xi32>,
          %swap3A_408 = vector.shape_cast %swap3A_407 : vector<16xi32> to vector<16xi32>
          %swap3A_409 = vector.shape_cast %add3A_403 : vector<16xi32> to vector<16xi32>
          tpu.vector_store %arg9[%swap3A_406], %swap3A_409 {strides = array<i32>} : memref<1600xi32, #tpu.memory_space<vmem>>, vector<16xi32>,
          %get3A_410 = arith.index_cast %scan3A_379 : i32 to index
          %get3A_411 = arith.constant 32 : index
          %get3A_412 = tpu.vector_load %arg5[%get3A_410, %get3A_411] {strides = array<i32>} : memref<16x100xi32, #tpu.memory_space<vmem>>, vector<1x16xi32>,
          %get3A_413 = vector.shape_cast %get3A_412 : vector<1x16xi32> to vector<16xi32>
          %get3A_414 = arith.constant 32 : index
          %get3A_415 = tpu.vector_load %arg6[%get3A_414] {strides = array<i32>} : memref<100xi32, #tpu.memory_space<vmem>>, vector<16xi32>,
          %get3A_416 = vector.shape_cast %get3A_415 : vector<16xi32> to vector<16xi32>
          %add3A_417 = arith.addi %get3A_413, %get3A_416 : vector<16xi32>
          %add3A_418 = arith.constant 32 : i32
          %add3A_419 = arith.addi %mul3A_382, %add3A_418 : i32
          %swap3A_420 = arith.index_cast %add3A_419 : i32 to index
          %swap3A_421 = tpu.vector_load %arg9[%swap3A_420] {strides = array<i32>} : memref<1600xi32, #tpu.memory_space<vmem>>, vector<16xi32>,
          %swap3A_422 = vector.shape_cast %swap3A_421 : vector<16xi32> to vector<16xi32>
          %swap3A_423 = vector.shape_cast %add3A_417 : vector<16xi32> to vector<16xi32>
          tpu.vector_store %arg9[%swap3A_420], %swap3A_423 {strides = array<i32>} : memref<1600xi32, #tpu.memory_space<vmem>>, vector<16xi32>,
          %get3A_424 = arith.index_cast %scan3A_379 : i32 to index
          %get3A_425 = arith.constant 48 : index
          %get3A_426 = tpu.vector_load %arg5[%get3A_424, %get3A_425] {strides = array<i32>} : memref<16x100xi32, #tpu.memory_space<vmem>>, vector<1x16xi32>,
          %get3A_427 = vector.shape_cast %get3A_426 : vector<1x16xi32> to vector<16xi32>
          %get3A_428 = arith.constant 48 : index
          %get3A_429 = tpu.vector_load %arg6[%get3A_428] {strides = array<i32>} : memref<100xi32, #tpu.memory_space<vmem>>, vector<16xi32>,
          %get3A_430 = vector.shape_cast %get3A_429 : vector<16xi32> to vector<16xi32>
          %add3A_431 = arith.addi %get3A_427, %get3A_430 : vector<16xi32>
          %add3A_432 = arith.constant 48 : i32
          %add3A_433 = arith.addi %mul3A_382, %add3A_432 : i32
          %swap3A_434 = arith.index_cast %add3A_433 : i32 to index
          %swap3A_435 = tpu.vector_load %arg9[%swap3A_434] {strides = array<i32>} : memref<1600xi32, #tpu.memory_space<vmem>>, vector<16xi32>,
          %swap3A_436 = vector.shape_cast %swap3A_435 : vector<16xi32> to vector<16xi32>
          %swap3A_437 = vector.shape_cast %add3A_431 : vector<16xi32> to vector<16xi32>
          tpu.vector_store %arg9[%swap3A_434], %swap3A_437 {strides = array<i32>} : memref<1600xi32, #tpu.memory_space<vmem>>, vector<16xi32>,
          %get3A_438 = arith.index_cast %scan3A_379 : i32 to index
          %get3A_439 = arith.constant 64 : index
          %get3A_440 = tpu.vector_load %arg5[%get3A_438, %get3A_439] {strides = array<i32>} : memref<16x100xi32, #tpu.memory_space<vmem>>, vector<1x16xi32>,
          %get3A_441 = vector.shape_cast %get3A_440 : vector<1x16xi32> to vector<16xi32>
          %get3A_442 = arith.constant 64 : index
          %get3A_443 = tpu.vector_load %arg6[%get3A_442] {strides = array<i32>} : memref<100xi32, #tpu.memory_space<vmem>>, vector<16xi32>,
          %get3A_444 = vector.shape_cast %get3A_443 : vector<16xi32> to vector<16xi32>
          %add3A_445 = arith.addi %get3A_441, %get3A_444 : vector<16xi32>
          %add3A_446 = arith.constant 64 : i32
          %add3A_447 = arith.addi %mul3A_382, %add3A_446 : i32
          %swap3A_448 = arith.index_cast %add3A_447 : i32 to index
          %swap3A_449 = tpu.vector_load %arg9[%swap3A_448] {strides = array<i32>} : memref<1600xi32, #tpu.memory_space<vmem>>, vector<16xi32>,
          %swap3A_450 = vector.shape_cast %swap3A_449 : vector<16xi32> to vector<16xi32>
          %swap3A_451 = vector.shape_cast %add3A_445 : vector<16xi32> to vector<16xi32>
          tpu.vector_store %arg9[%swap3A_448], %swap3A_451 {strides = array<i32>} : memref<1600xi32, #tpu.memory_space<vmem>>, vector<16xi32>,
          %get3A_452 = arith.index_cast %scan3A_379 : i32 to index
          %get3A_453 = arith.constant 80 : index
          %get3A_454 = tpu.vector_load %arg5[%get3A_452, %get3A_453] {strides = array<i32>} : memref<16x100xi32, #tpu.memory_space<vmem>>, vector<1x16xi32>,
          %get3A_455 = vector.shape_cast %get3A_454 : vector<1x16xi32> to vector<16xi32>
          %get3A_456 = arith.constant 80 : index
          %get3A_457 = tpu.vector_load %arg6[%get3A_456] {strides = array<i32>} : memref<100xi32, #tpu.memory_space<vmem>>, vector<16xi32>,
          %get3A_458 = vector.shape_cast %get3A_457 : vector<16xi32> to vector<16xi32>
          %add3A_459 = arith.addi %get3A_455, %get3A_458 : vector<16xi32>
          %add3A_460 = arith.constant 80 : i32
          %add3A_461 = arith.addi %mul3A_382, %add3A_460 : i32
          %swap3A_462 = arith.index_cast %add3A_461 : i32 to index
          %swap3A_463 = tpu.vector_load %arg9[%swap3A_462] {strides = array<i32>} : memref<1600xi32, #tpu.memory_space<vmem>>, vector<16xi32>,
          %swap3A_464 = vector.shape_cast %swap3A_463 : vector<16xi32> to vector<16xi32>
          %swap3A_465 = vector.shape_cast %add3A_459 : vector<16xi32> to vector<16xi32>
          tpu.vector_store %arg9[%swap3A_462], %swap3A_465 {strides = array<i32>} : memref<1600xi32, #tpu.memory_space<vmem>>, vector<16xi32>,
          %get3A_466 = arith.index_cast %scan3A_379 : i32 to index
          %get3A_467 = arith.constant 84 : index
          %get3A_468 = tpu.vector_load %arg5[%get3A_466, %get3A_467] {strides = array<i32>} : memref<16x100xi32, #tpu.memory_space<vmem>>, vector<1x16xi32>,
          %get3A_469 = vector.shape_cast %get3A_468 : vector<1x16xi32> to vector<16xi32>
          %get3A_470 = arith.constant 84 : index
          %get3A_471 = tpu.vector_load %arg6[%get3A_470] {strides = array<i32>} : memref<100xi32, #tpu.memory_space<vmem>>, vector<16xi32>,
          %get3A_472 = vector.shape_cast %get3A_471 : vector<16xi32> to vector<16xi32>
          %add3A_473 = arith.addi %get3A_469, %get3A_472 : vector<16xi32>
          %add3A_474 = arith.constant 84 : i32
          %add3A_475 = arith.addi %mul3A_382, %add3A_474 : i32
          %swap3A_476 = arith.index_cast %add3A_475 : i32 to index
          %swap3A_477 = tpu.vector_load %arg9[%swap3A_476] {strides = array<i32>} : memref<1600xi32, #tpu.memory_space<vmem>>, vector<16xi32>,
          %swap3A_478 = vector.shape_cast %swap3A_477 : vector<16xi32> to vector<16xi32>
          %swap3A_479 = vector.shape_cast %add3A_473 : vector<16xi32> to vector<16xi32>
          tpu.vector_store %arg9[%swap3A_476], %swap3A_479 {strides = array<i32>} : memref<1600xi32, #tpu.memory_space<vmem>>, vector<16xi32>,
          %scan3A_480 = arith.constant 0 : i32
          scf.yield %scan3A_480 : i32
        }
        %scan3A_369 = arith.constant 16 : i32
        %dma_wait3A_370 = arith.constant 0 : i32
        %dma_wait3A_371 = arith.constant 0 : i32
        %dma_wait3A_372 = tpu.memref_slice %arg4[%dma_wait3A_370, %dma_wait3A_371] : memref<1638400x16xf32, #tpu.memory_space<hbm>> -> memref<1600x16xf32, #tpu.memory_space<hbm>>
        %dma_wait3A_373 = arith.constant 0 : i32
        %dma_wait3A_374 = arith.constant 0 : i32
        %dma_wait3A_375 = tpu.memref_slice %arg4[%dma_wait3A_373, %dma_wait3A_374] : memref<1638400x16xf32, #tpu.memory_space<hbm>> -> memref<1600x16xf32, #tpu.memory_space<hbm>>
        tpu.wait_dma2 semaphore(%arg21 : memref<!tpu.dma_semaphore, #tpu.memory_space<semaphore_mem>>) src(%arg13 : memref<1600x16xf32, #tpu.memory_space<vmem>>) dst(%dma_wait3A_375 : memref<1600x16xf32, #tpu.memory_space<hbm>>)
        %dma_start3A_376 = arith.constant 0 : i32
        %dma_start3A_377 = arith.constant 0 : i32
        %dma_start3A_378 = tpu.memref_slice %arg3[%dma_start3A_376, %dma_start3A_377] : memref<102400x16xf32, #tpu.memory_space<hbm>> -> memref<102400x16xf32, #tpu.memory_space<hbm>>
        tpu.enqueue_indirect_dma source(%dma_start3A_378 : memref<102400x16xf32, #tpu.memory_space<hbm>>) target(%arg13 : memref<1600x16xf32, #tpu.memory_space<vmem>>) offsets(%arg9 : memref<1600xi32, #tpu.memory_space<vmem>>) semaphore(%arg17 : memref<!tpu.dma_semaphore, #tpu.memory_space<semaphore_mem>>)
      } else {
      }
      %mul3A_310 = arith.constant 4 : i32
      %mul3A_311 = arith.muli %scan3A_245, %mul3A_310 : i32
      %add3A_312 = arith.constant 3 : i32
      %add3A_313 = arith.addi %mul3A_311, %add3A_312 : i32
      %dma_wait3A_314 = arith.constant 0 : i32
      %dma_wait3A_315 = arith.constant 0 : i32
      %dma_wait3A_316 = tpu.memref_slice %arg3[%dma_wait3A_314, %dma_wait3A_315] : memref<102400x16xf32, #tpu.memory_space<hbm>> -> memref<102400x16xf32, #tpu.memory_space<hbm>>
      tpu.wait_indirect_dma semaphore(%arg18 : memref<!tpu.dma_semaphore, #tpu.memory_space<semaphore_mem>>) src(%dma_wait3A_316 : memref<102400x16xf32, #tpu.memory_space<hbm>>) dst(%arg14 : memref<1600x16xf32, #tpu.memory_space<vmem>>)
      %mul3A_317 = arith.constant 1600 : i32
      %mul3A_318 = arith.muli %add3A_313, %mul3A_317 : i32
      %add3A_319 = arith.addi %mul3A_2, %mul3A_318 : i32
      %multiple_of3A_320 = tpu.assume_multiple %add3A_319, 8 : i32
      %dma_start3A_321 = arith.constant 0 : i32
      %dma_start3A_322 = tpu.memref_slice %arg4[%multiple_of3A_320, %dma_start3A_321] : memref<1638400x16xf32, #tpu.memory_space<hbm>> -> memref<1600x16xf32, #tpu.memory_space<hbm>>
      %dma_start3A_323 = arith.constant 0 : i32
      %dma_start3A_324 = tpu.memref_slice %arg4[%multiple_of3A_320, %dma_start3A_323] : memref<1638400x16xf32, #tpu.memory_space<hbm>> -> memref<1600x16xf32, #tpu.memory_space<hbm>>
      tpu.enqueue_dma source(%arg14 : memref<1600x16xf32, #tpu.memory_space<vmem>>) target(%dma_start3A_324 : memref<1600x16xf32, #tpu.memory_space<hbm>>) target_semaphore(%arg22 : memref<!tpu.dma_semaphore, #tpu.memory_space<semaphore_mem>>)
      %add3A_325 = arith.constant 4 : i32
      %add3A_326 = arith.addi %add3A_313, %add3A_325 : i32
      %lt3A_327 = arith.constant 32 : i32
      %lt3A_328 = arith.cmpi slt, %add3A_326, %lt3A_327 : i32
      %convert_element_type3A_329 = arith.extui %lt3A_328 : i1 to i32
      %cond3A_330 = arith.constant 0 : i32
      %cond3A_331 = arith.cmpi ne, %convert_element_type3A_329, %cond3A_330 : i32
      scf.if %cond3A_331 {
        %add3A_333 = arith.constant 4 : i32
        %add3A_334 = arith.addi %add3A_313, %add3A_333 : i32
        %mul3A_335 = arith.constant 1600 : i32
        %mul3A_336 = arith.muli %add3A_334, %mul3A_335 : i32
        %add3A_337 = arith.addi %mul3A_2, %mul3A_336 : i32
        %jit3A_338 = arith.constant 100 : i32
        %div3A_339 = arith.divsi %add3A_337, %jit3A_338 : i32
        %sign3A_340 = arith.constant 0 : i32
        %sign3A_341 = arith.cmpi sgt, %add3A_337, %sign3A_340 : i32
        %sign3A_342 = arith.extui %sign3A_341 : i1 to i32
        %sign3A_343 = arith.constant 0 : i32
        %sign3A_344 = arith.cmpi slt, %add3A_337, %sign3A_343 : i32
        %sign3A_345 = arith.extui %sign3A_344 : i1 to i32
        %sign3A_346 = arith.subi %sign3A_342, %sign3A_345 : i32
        %sign3A_347 = arith.constant 0 : i32
        %sign3A_348 = arith.cmpi sgt, %jit3A_338, %sign3A_347 : i32
        %sign3A_349 = arith.extui %sign3A_348 : i1 to i32
        %sign3A_350 = arith.constant 0 : i32
        %sign3A_351 = arith.cmpi slt, %jit3A_338, %sign3A_350 : i32
        %sign3A_352 = arith.extui %sign3A_351 : i1 to i32
        %sign3A_353 = arith.subi %sign3A_349, %sign3A_352 : i32
        %ne3A_354 = arith.cmpi ne, %sign3A_346, %sign3A_353 : i32
        %rem3A_355 = arith.remsi %add3A_337, %jit3A_338 : i32
        %ne3A_356 = arith.constant 0 : i32
        %ne3A_357 = arith.cmpi ne, %rem3A_355, %ne3A_356 : i32
        %and3A_358 = arith.andi %ne3A_354, %ne3A_357 : i1
        %sub3A_359 = arith.constant 1 : i32
        %sub3A_360 = arith.subi %div3A_339, %sub3A_359 : i32
        %select_n3A_361 = arith.select %and3A_358, %sub3A_360, %div3A_339 : i32
        %multiple_of3A_362 = tpu.assume_multiple %select_n3A_361, 8 : i32
        "tpu.region"() ({
          %run_scoped3A = tpu.sem_alloc : memref<!tpu.dma_semaphore, #tpu.memory_space<semaphore_mem>>
          %dma_start3A_379 = arith.constant 0 : i32
          %dma_start3A_380 = tpu.memref_slice %arg2[%multiple_of3A_362, %dma_start3A_379] : memref<16384x100xi32, #tpu.memory_space<hbm>> -> memref<16x100xi32, #tpu.memory_space<hbm>>
          %dma_start3A_381 = arith.constant 0 : i32
          %dma_start3A_382 = tpu.memref_slice %arg2[%multiple_of3A_362, %dma_start3A_381] : memref<16384x100xi32, #tpu.memory_space<hbm>> -> memref<16x100xi32, #tpu.memory_space<hbm>>
          tpu.enqueue_dma source(%dma_start3A_382 : memref<16x100xi32, #tpu.memory_space<hbm>>) target(%arg5 : memref<16x100xi32, #tpu.memory_space<vmem>>) target_semaphore(%run_scoped3A : memref<!tpu.dma_semaphore, #tpu.memory_space<semaphore_mem>>)
          %dma_wait3A_383 = arith.constant 0 : i32
          %dma_wait3A_384 = tpu.memref_slice %arg2[%multiple_of3A_362, %dma_wait3A_383] : memref<16384x100xi32, #tpu.memory_space<hbm>> -> memref<16x100xi32, #tpu.memory_space<hbm>>
          %dma_wait3A_385 = arith.constant 0 : i32
          %dma_wait3A_386 = tpu.memref_slice %arg2[%multiple_of3A_362, %dma_wait3A_385] : memref<16384x100xi32, #tpu.memory_space<hbm>> -> memref<16x100xi32, #tpu.memory_space<hbm>>
          tpu.wait_dma2 semaphore(%run_scoped3A : memref<!tpu.dma_semaphore, #tpu.memory_space<semaphore_mem>>) src(%dma_wait3A_386 : memref<16x100xi32, #tpu.memory_space<hbm>>) dst(%arg5 : memref<16x100xi32, #tpu.memory_space<vmem>>)
          tpu.yield
        }) : () -> ()
        %scan3A_363 = arith.constant 0 : i32
        %scan3A_364 = arith.constant 0 : i32
        %scan3A_365 = arith.constant 16 : i32
        %scan3A_366 = arith.addi %scan3A_364, %scan3A_365 : i32
        %scan3A_367 = arith.constant 1 : i32
        %scan3A_368 = scf.for %scan3A_379 = %scan3A_364 to %scan3A_366 step %scan3A_367 iter_args(%scan3A_380 = %scan3A_363) -> (i32)  : i32 {
          %mul3A_381 = arith.constant 100 : i32
          %mul3A_382 = arith.muli %scan3A_379, %mul3A_381 : i32
          %get3A = arith.index_cast %scan3A_379 : i32 to index
          %get3A_383 = arith.constant 0 : index
          %get3A_384 = tpu.vector_load %arg5[%get3A, %get3A_383] {strides = array<i32>} : memref<16x100xi32, #tpu.memory_space<vmem>>, vector<1x16xi32>,
          %get3A_385 = vector.shape_cast %get3A_384 : vector<1x16xi32> to vector<16xi32>
          %get3A_386 = arith.constant 0 : index
          %get3A_387 = tpu.vector_load %arg6[%get3A_386] {strides = array<i32>} : memref<100xi32, #tpu.memory_space<vmem>>, vector<16xi32>,
          %get3A_388 = vector.shape_cast %get3A_387 : vector<16xi32> to vector<16xi32>
          %add3A_389 = arith.addi %get3A_385, %get3A_388 : vector<16xi32>
          %add3A_390 = arith.constant 0 : i32
          %add3A_391 = arith.addi %mul3A_382, %add3A_390 : i32
          %swap3A_392 = arith.index_cast %add3A_391 : i32 to index
          %swap3A_393 = tpu.vector_load %arg10[%swap3A_392] {strides = array<i32>} : memref<1600xi32, #tpu.memory_space<vmem>>, vector<16xi32>,
          %swap3A_394 = vector.shape_cast %swap3A_393 : vector<16xi32> to vector<16xi32>
          %swap3A_395 = vector.shape_cast %add3A_389 : vector<16xi32> to vector<16xi32>
          tpu.vector_store %arg10[%swap3A_392], %swap3A_395 {strides = array<i32>} : memref<1600xi32, #tpu.memory_space<vmem>>, vector<16xi32>,
          %get3A_396 = arith.index_cast %scan3A_379 : i32 to index
          %get3A_397 = arith.constant 16 : index
          %get3A_398 = tpu.vector_load %arg5[%get3A_396, %get3A_397] {strides = array<i32>} : memref<16x100xi32, #tpu.memory_space<vmem>>, vector<1x16xi32>,
          %get3A_399 = vector.shape_cast %get3A_398 : vector<1x16xi32> to vector<16xi32>
          %get3A_400 = arith.constant 16 : index
          %get3A_401 = tpu.vector_load %arg6[%get3A_400] {strides = array<i32>} : memref<100xi32, #tpu.memory_space<vmem>>, vector<16xi32>,
          %get3A_402 = vector.shape_cast %get3A_401 : vector<16xi32> to vector<16xi32>
          %add3A_403 = arith.addi %get3A_399, %get3A_402 : vector<16xi32>
          %add3A_404 = arith.constant 16 : i32
          %add3A_405 = arith.addi %mul3A_382, %add3A_404 : i32
          %swap3A_406 = arith.index_cast %add3A_405 : i32 to index
          %swap3A_407 = tpu.vector_load %arg10[%swap3A_406] {strides = array<i32>} : memref<1600xi32, #tpu.memory_space<vmem>>, vector<16xi32>,
          %swap3A_408 = vector.shape_cast %swap3A_407 : vector<16xi32> to vector<16xi32>
          %swap3A_409 = vector.shape_cast %add3A_403 : vector<16xi32> to vector<16xi32>
          tpu.vector_store %arg10[%swap3A_406], %swap3A_409 {strides = array<i32>} : memref<1600xi32, #tpu.memory_space<vmem>>, vector<16xi32>,
          %get3A_410 = arith.index_cast %scan3A_379 : i32 to index
          %get3A_411 = arith.constant 32 : index
          %get3A_412 = tpu.vector_load %arg5[%get3A_410, %get3A_411] {strides = array<i32>} : memref<16x100xi32, #tpu.memory_space<vmem>>, vector<1x16xi32>,
          %get3A_413 = vector.shape_cast %get3A_412 : vector<1x16xi32> to vector<16xi32>
          %get3A_414 = arith.constant 32 : index
          %get3A_415 = tpu.vector_load %arg6[%get3A_414] {strides = array<i32>} : memref<100xi32, #tpu.memory_space<vmem>>, vector<16xi32>,
          %get3A_416 = vector.shape_cast %get3A_415 : vector<16xi32> to vector<16xi32>
          %add3A_417 = arith.addi %get3A_413, %get3A_416 : vector<16xi32>
          %add3A_418 = arith.constant 32 : i32
          %add3A_419 = arith.addi %mul3A_382, %add3A_418 : i32
          %swap3A_420 = arith.index_cast %add3A_419 : i32 to index
          %swap3A_421 = tpu.vector_load %arg10[%swap3A_420] {strides = array<i32>} : memref<1600xi32, #tpu.memory_space<vmem>>, vector<16xi32>,
          %swap3A_422 = vector.shape_cast %swap3A_421 : vector<16xi32> to vector<16xi32>
          %swap3A_423 = vector.shape_cast %add3A_417 : vector<16xi32> to vector<16xi32>
          tpu.vector_store %arg10[%swap3A_420], %swap3A_423 {strides = array<i32>} : memref<1600xi32, #tpu.memory_space<vmem>>, vector<16xi32>,
          %get3A_424 = arith.index_cast %scan3A_379 : i32 to index
          %get3A_425 = arith.constant 48 : index
          %get3A_426 = tpu.vector_load %arg5[%get3A_424, %get3A_425] {strides = array<i32>} : memref<16x100xi32, #tpu.memory_space<vmem>>, vector<1x16xi32>,
          %get3A_427 = vector.shape_cast %get3A_426 : vector<1x16xi32> to vector<16xi32>
          %get3A_428 = arith.constant 48 : index
          %get3A_429 = tpu.vector_load %arg6[%get3A_428] {strides = array<i32>} : memref<100xi32, #tpu.memory_space<vmem>>, vector<16xi32>,
          %get3A_430 = vector.shape_cast %get3A_429 : vector<16xi32> to vector<16xi32>
          %add3A_431 = arith.addi %get3A_427, %get3A_430 : vector<16xi32>
          %add3A_432 = arith.constant 48 : i32
          %add3A_433 = arith.addi %mul3A_382, %add3A_432 : i32
          %swap3A_434 = arith.index_cast %add3A_433 : i32 to index
          %swap3A_435 = tpu.vector_load %arg10[%swap3A_434] {strides = array<i32>} : memref<1600xi32, #tpu.memory_space<vmem>>, vector<16xi32>,
          %swap3A_436 = vector.shape_cast %swap3A_435 : vector<16xi32> to vector<16xi32>
          %swap3A_437 = vector.shape_cast %add3A_431 : vector<16xi32> to vector<16xi32>
          tpu.vector_store %arg10[%swap3A_434], %swap3A_437 {strides = array<i32>} : memref<1600xi32, #tpu.memory_space<vmem>>, vector<16xi32>,
          %get3A_438 = arith.index_cast %scan3A_379 : i32 to index
          %get3A_439 = arith.constant 64 : index
          %get3A_440 = tpu.vector_load %arg5[%get3A_438, %get3A_439] {strides = array<i32>} : memref<16x100xi32, #tpu.memory_space<vmem>>, vector<1x16xi32>,
          %get3A_441 = vector.shape_cast %get3A_440 : vector<1x16xi32> to vector<16xi32>
          %get3A_442 = arith.constant 64 : index
          %get3A_443 = tpu.vector_load %arg6[%get3A_442] {strides = array<i32>} : memref<100xi32, #tpu.memory_space<vmem>>, vector<16xi32>,
          %get3A_444 = vector.shape_cast %get3A_443 : vector<16xi32> to vector<16xi32>
          %add3A_445 = arith.addi %get3A_441, %get3A_444 : vector<16xi32>
          %add3A_446 = arith.constant 64 : i32
          %add3A_447 = arith.addi %mul3A_382, %add3A_446 : i32
          %swap3A_448 = arith.index_cast %add3A_447 : i32 to index
          %swap3A_449 = tpu.vector_load %arg10[%swap3A_448] {strides = array<i32>} : memref<1600xi32, #tpu.memory_space<vmem>>, vector<16xi32>,
          %swap3A_450 = vector.shape_cast %swap3A_449 : vector<16xi32> to vector<16xi32>
          %swap3A_451 = vector.shape_cast %add3A_445 : vector<16xi32> to vector<16xi32>
          tpu.vector_store %arg10[%swap3A_448], %swap3A_451 {strides = array<i32>} : memref<1600xi32, #tpu.memory_space<vmem>>, vector<16xi32>,
          %get3A_452 = arith.index_cast %scan3A_379 : i32 to index
          %get3A_453 = arith.constant 80 : index
          %get3A_454 = tpu.vector_load %arg5[%get3A_452, %get3A_453] {strides = array<i32>} : memref<16x100xi32, #tpu.memory_space<vmem>>, vector<1x16xi32>,
          %get3A_455 = vector.shape_cast %get3A_454 : vector<1x16xi32> to vector<16xi32>
          %get3A_456 = arith.constant 80 : index
          %get3A_457 = tpu.vector_load %arg6[%get3A_456] {strides = array<i32>} : memref<100xi32, #tpu.memory_space<vmem>>, vector<16xi32>,
          %get3A_458 = vector.shape_cast %get3A_457 : vector<16xi32> to vector<16xi32>
          %add3A_459 = arith.addi %get3A_455, %get3A_458 : vector<16xi32>
          %add3A_460 = arith.constant 80 : i32
          %add3A_461 = arith.addi %mul3A_382, %add3A_460 : i32
          %swap3A_462 = arith.index_cast %add3A_461 : i32 to index
          %swap3A_463 = tpu.vector_load %arg10[%swap3A_462] {strides = array<i32>} : memref<1600xi32, #tpu.memory_space<vmem>>, vector<16xi32>,
          %swap3A_464 = vector.shape_cast %swap3A_463 : vector<16xi32> to vector<16xi32>
          %swap3A_465 = vector.shape_cast %add3A_459 : vector<16xi32> to vector<16xi32>
          tpu.vector_store %arg10[%swap3A_462], %swap3A_465 {strides = array<i32>} : memref<1600xi32, #tpu.memory_space<vmem>>, vector<16xi32>,
          %get3A_466 = arith.index_cast %scan3A_379 : i32 to index
          %get3A_467 = arith.constant 84 : index
          %get3A_468 = tpu.vector_load %arg5[%get3A_466, %get3A_467] {strides = array<i32>} : memref<16x100xi32, #tpu.memory_space<vmem>>, vector<1x16xi32>,
          %get3A_469 = vector.shape_cast %get3A_468 : vector<1x16xi32> to vector<16xi32>
          %get3A_470 = arith.constant 84 : index
          %get3A_471 = tpu.vector_load %arg6[%get3A_470] {strides = array<i32>} : memref<100xi32, #tpu.memory_space<vmem>>, vector<16xi32>,
          %get3A_472 = vector.shape_cast %get3A_471 : vector<16xi32> to vector<16xi32>
          %add3A_473 = arith.addi %get3A_469, %get3A_472 : vector<16xi32>
          %add3A_474 = arith.constant 84 : i32
          %add3A_475 = arith.addi %mul3A_382, %add3A_474 : i32
          %swap3A_476 = arith.index_cast %add3A_475 : i32 to index
          %swap3A_477 = tpu.vector_load %arg10[%swap3A_476] {strides = array<i32>} : memref<1600xi32, #tpu.memory_space<vmem>>, vector<16xi32>,
          %swap3A_478 = vector.shape_cast %swap3A_477 : vector<16xi32> to vector<16xi32>
          %swap3A_479 = vector.shape_cast %add3A_473 : vector<16xi32> to vector<16xi32>
          tpu.vector_store %arg10[%swap3A_476], %swap3A_479 {strides = array<i32>} : memref<1600xi32, #tpu.memory_space<vmem>>, vector<16xi32>,
          %scan3A_480 = arith.constant 0 : i32
          scf.yield %scan3A_480 : i32
        }
        %scan3A_369 = arith.constant 16 : i32
        %dma_wait3A_370 = arith.constant 0 : i32
        %dma_wait3A_371 = arith.constant 0 : i32
        %dma_wait3A_372 = tpu.memref_slice %arg4[%dma_wait3A_370, %dma_wait3A_371] : memref<1638400x16xf32, #tpu.memory_space<hbm>> -> memref<1600x16xf32, #tpu.memory_space<hbm>>
        %dma_wait3A_373 = arith.constant 0 : i32
        %dma_wait3A_374 = arith.constant 0 : i32
        %dma_wait3A_375 = tpu.memref_slice %arg4[%dma_wait3A_373, %dma_wait3A_374] : memref<1638400x16xf32, #tpu.memory_space<hbm>> -> memref<1600x16xf32, #tpu.memory_space<hbm>>
        tpu.wait_dma2 semaphore(%arg22 : memref<!tpu.dma_semaphore, #tpu.memory_space<semaphore_mem>>) src(%arg14 : memref<1600x16xf32, #tpu.memory_space<vmem>>) dst(%dma_wait3A_375 : memref<1600x16xf32, #tpu.memory_space<hbm>>)
        %dma_start3A_376 = arith.constant 0 : i32
        %dma_start3A_377 = arith.constant 0 : i32
        %dma_start3A_378 = tpu.memref_slice %arg3[%dma_start3A_376, %dma_start3A_377] : memref<102400x16xf32, #tpu.memory_space<hbm>> -> memref<102400x16xf32, #tpu.memory_space<hbm>>
        tpu.enqueue_indirect_dma source(%dma_start3A_378 : memref<102400x16xf32, #tpu.memory_space<hbm>>) target(%arg14 : memref<1600x16xf32, #tpu.memory_space<vmem>>) offsets(%arg10 : memref<1600xi32, #tpu.memory_space<vmem>>) semaphore(%arg18 : memref<!tpu.dma_semaphore, #tpu.memory_space<semaphore_mem>>)
      } else {
      }
      %scan3A_332 = arith.constant 0 : i32
      scf.yield %scan3A_332 : i32
    }
    %scan3A_221 = arith.constant 8 : i32
    %dma_wait3A = arith.constant 0 : i32
    %dma_wait3A_222 = arith.constant 0 : i32
    %dma_wait3A_223 = tpu.memref_slice %arg4[%dma_wait3A, %dma_wait3A_222] : memref<1638400x16xf32, #tpu.memory_space<hbm>> -> memref<1600x16xf32, #tpu.memory_space<hbm>>
    %dma_wait3A_224 = arith.constant 0 : i32
    %dma_wait3A_225 = arith.constant 0 : i32
    %dma_wait3A_226 = tpu.memref_slice %arg4[%dma_wait3A_224, %dma_wait3A_225] : memref<1638400x16xf32, #tpu.memory_space<hbm>> -> memref<1600x16xf32, #tpu.memory_space<hbm>>
    tpu.wait_dma2 semaphore(%arg19 : memref<!tpu.dma_semaphore, #tpu.memory_space<semaphore_mem>>) src(%arg11 : memref<1600x16xf32, #tpu.memory_space<vmem>>) dst(%dma_wait3A_226 : memref<1600x16xf32, #tpu.memory_space<hbm>>)
    %dma_wait3A_227 = arith.constant 0 : i32
    %dma_wait3A_228 = arith.constant 0 : i32
    %dma_wait3A_229 = tpu.memref_slice %arg4[%dma_wait3A_227, %dma_wait3A_228] : memref<1638400x16xf32, #tpu.memory_space<hbm>> -> memref<1600x16xf32, #tpu.memory_space<hbm>>
    %dma_wait3A_230 = arith.constant 0 : i32
    %dma_wait3A_231 = arith.constant 0 : i32
    %dma_wait3A_232 = tpu.memref_slice %arg4[%dma_wait3A_230, %dma_wait3A_231] : memref<1638400x16xf32, #tpu.memory_space<hbm>> -> memref<1600x16xf32, #tpu.memory_space<hbm>>
    tpu.wait_dma2 semaphore(%arg20 : memref<!tpu.dma_semaphore, #tpu.memory_space<semaphore_mem>>) src(%arg12 : memref<1600x16xf32, #tpu.memory_space<vmem>>) dst(%dma_wait3A_232 : memref<1600x16xf32, #tpu.memory_space<hbm>>)
    %dma_wait3A_233 = arith.constant 0 : i32
    %dma_wait3A_234 = arith.constant 0 : i32
    %dma_wait3A_235 = tpu.memref_slice %arg4[%dma_wait3A_233, %dma_wait3A_234] : memref<1638400x16xf32, #tpu.memory_space<hbm>> -> memref<1600x16xf32, #tpu.memory_space<hbm>>
    %dma_wait3A_236 = arith.constant 0 : i32
    %dma_wait3A_237 = arith.constant 0 : i32
    %dma_wait3A_238 = tpu.memref_slice %arg4[%dma_wait3A_236, %dma_wait3A_237] : memref<1638400x16xf32, #tpu.memory_space<hbm>> -> memref<1600x16xf32, #tpu.memory_space<hbm>>
    tpu.wait_dma2 semaphore(%arg21 : memref<!tpu.dma_semaphore, #tpu.memory_space<semaphore_mem>>) src(%arg13 : memref<1600x16xf32, #tpu.memory_space<vmem>>) dst(%dma_wait3A_238 : memref<1600x16xf32, #tpu.memory_space<hbm>>)
    %dma_wait3A_239 = arith.constant 0 : i32
    %dma_wait3A_240 = arith.constant 0 : i32
    %dma_wait3A_241 = tpu.memref_slice %arg4[%dma_wait3A_239, %dma_wait3A_240] : memref<1638400x16xf32, #tpu.memory_space<hbm>> -> memref<1600x16xf32, #tpu.memory_space<hbm>>
    %dma_wait3A_242 = arith.constant 0 : i32
    %dma_wait3A_243 = arith.constant 0 : i32
    %dma_wait3A_244 = tpu.memref_slice %arg4[%dma_wait3A_242, %dma_wait3A_243] : memref<1638400x16xf32, #tpu.memory_space<hbm>> -> memref<1600x16xf32, #tpu.memory_space<hbm>>
    tpu.wait_dma2 semaphore(%arg22 : memref<!tpu.dma_semaphore, #tpu.memory_space<semaphore_mem>>) src(%arg14 : memref<1600x16xf32, #tpu.memory_space<vmem>>) dst(%dma_wait3A_244 : memref<1600x16xf32, #tpu.memory_space<hbm>>)
    return
  }
}

</mosaic_0001>

<sc_bundles>
// kernel: kernel.3.cloned.1.call-start
scs
__scs_entry_jumppad:
0x0: {  	(pc) =	sbr.rel $0x88, $3  }
0x1: {  	(tag) =	ssettag $0x0;
	lr =	simm.s32 $0x1  }
0x2: {  	[smem:$0x3F9F] =	sst lr;
	_ =	strace $0xD0000000  }
0x3: {  	_ = 	snop  }
0x4: {  	_ = 	snop  }
0x5: {  	_ = 	snop  }
0x6: {  	_ = 	snop  }
0x7: {  	_ = 	snop  }
__scs_overlays_trampoline_lowered:
0x8: {  	[smem:$0x3FAE] =	sst s0  }
0x9: {  	[smem:$0x3FAF] =	sst s1  }
0xa: {  	[smem:$0x3FB0] =	sst s2  }
0xb: {  	[smem:$0x3FB1] =	sst s3  }
0xc: {  	[smem:$0x3FB2] =	sst s4  }
0xd: {  	[smem:$0x3FB3] =	sst s5  }
0xe: {  	[smem:$0x3FB4] =	sst s6  }
0xf: {  	[smem:$0x3FB5] =	sst s7  }
0x10: {  	[smem:$0x3FB6] =	sst s8  }
0x11: {  	[smem:$0x3FB7] =	sst s9;
	s0 =	simm.s32 @!p0 $0x0  }
0x12: {  	s1 =	sld [smem:$0x3F9D];
	s0 =	simm.s32 @p0 $0x1  }
0x13: {  	[smem:$0x3FB8] =	sst s0;
	s0 =	simm.s32 @!p1 $0x0  }
0x14: {  	s2 =	sld [smem:$0x3F9C];
	s0 =	simm.s32 @p1 $0x1  }
0x15: {  	[smem:$0x3FB9] =	sst s0;
	s0 =	simm.s32 @!p2 $0x0  }
0x16: {  	s3 =	sld [smem:$0x3FDB];
	s0 =	simm.s32 @p2 $0x1  }
0x17: {  	s4 =	simm.s32 $0x1BF5;
	[smem:$0x3FBB] =	sst s0  }
0x18: {  	s0 =	sld [smem:$0x3F9E];
	_ =	swait.ge [sflag:s4], $0x0  }
0x19: {  	s7 =	sld [smem:$0x3F9F]  }
0x1a: {  	s8 =	sadd.s32 $0xFFFFE003, lr  }
0x1b: {  	s9 =	sadd.s32 $0xFFFFFEF7, lr;
	s5 =	simm.s32 $0xFFFFFFFF;
	p2 =	slt.u32 s8, $0xFFFFF086  }
0x1c: {  	p1 =	slt.u32 s9, $0xF7A;
	s5 =	simm.s32 @!p2 $0x0  }
0x1d: {  	s5 =	simm.s32 @p1 $0x1;
	p0 =	seq.s32 s7, s2  }
0x1e: {  	s7 =	smul.u32 @!p0 $0xF7A, s2;
	p2 =	seq.s32 @!p0 s5, $0x0  }
0x1f: {  	s9 =	smul.u32 $0xF7A, s1;
	s8 =	simm.s32 @!p0 $0x1BF5;
	p2 =	por !p2, p0  }
0x20: {  	[sflag:s8] =	ssyncset.s32 @!p0 $0xFFFFF086;
	s6 =	sadd.s32 @!p0 s3, s7;
	s7 =	simm.s32 @!p0 $0x108  }
0x21: {  	s3 =	sadd.s32 s3, s9;
	s6 =	sadd.s32 @!p0 $0x88, s6;
	s7 =	simm.s32 @p2 $0x1082  }
0x22: {  	[simem:s7], [sflag:s8] =	dma.local @!p0 [hbm:s6], $0xF7A  }
0x23: {  	s9 =	sor.u32 $0xD0000000, s2;
	s6 =	simm.s32 $0x108;
	_ =	swait.ge @!p0 [sflag:s8], $0x0  }
0x24: {  	s3 =	sadd.s32 $0x88, s3;
	s6 =	simm.s32 @!p1 $0x1082;
	[sflag:s4] =	ssyncset.s32 $0xFFFFF086  }
0x25: {  	[simem:s6], [sflag:s4] =	dma.local [hbm:s3], $0xF7A  }
0x26: {  	[smem:$0x3F9F] =	sst s1;
	(tag) =	ssettag s2;
	_ =	strace s9  }
0x27: {  	s1 =	sld [smem:$0x3FAF]  }
0x28: {  	s2 =	sld [smem:$0x3FB0]  }
0x29: {  	s4 =	sld [smem:$0x3FB2]  }
0x2a: {  	p0 =	seq.s32 s5, $0x0;
	s5 =	sld [smem:$0x3FB3]  }
0x2b: {  	s6 =	sld [smem:$0x3FB4]  }
0x2c: {  	s7 =	sld [smem:$0x3FB5]  }
0x2d: {  	s3 =	simm.s32 $0x108;
	s8 =	sld [smem:$0x3FB6]  }
0x2e: {  	s3 =	simm.s32 @!p0 $0x1082;
	s9 =	sld [smem:$0x3FB7]  }
0x2f: {  	lr =	sadd.s32 s0, s3;
	s0 =	sld [smem:$0x3FAE]  }
0x30: {  	s3 =	sld [smem:$0x3FB1]  }
0x31: {  	[smem:$0x3FBA] =	sst s10  }
0x32: {  	s10 =	sld [smem:$0x3FB8];
	_ =	sdelay $0x3  }
0x33: {  	p0 =	seq.s32 s10, $0x1;
	s10 =	sld [smem:$0x3FBA];
	_ =	sdelay $0x3  }
0x34: {  	[smem:$0x3FBA] =	sst s10  }
0x35: {  	s10 =	sld [smem:$0x3FB9];
	_ =	sdelay $0x3  }
0x36: {  	p1 =	seq.s32 s10, $0x1;
	s10 =	sld [smem:$0x3FBA];
	_ =	sdelay $0x3  }
0x37: {  	[smem:$0x3FBA] =	sst s10  }
0x38: {  	s10 =	sld [smem:$0x3FBB]  }
0x39: {  	_ = 	snop;
	(pc) =	sbr.ind lr, $3  }
0x3a: {  	_ = 	snop  }
0x3b: {  	_ = 	snop  }
0x3c: {  	p2 =	seq.s32 s10, $0x1;
	s10 =	sld [smem:$0x3FBA]  }
0x3d: {  	_ =	shalt  }
0x3e: {  	_ =	shalt  }
0x3f: {  	_ =	shalt  }
0x40: {  	_ =	shalt  }
0x41: {  	_ =	shalt  }
0x42: {  	_ =	shalt  }
0x43: {  	_ =	shalt  }
0x44: {  	_ =	shalt  }
0x45: {  	_ =	shalt  }
0x46: {  	_ =	shalt  }
0x47: {  	_ =	shalt  }
0x48: {  	_ =	shalt  }
0x49: {  	_ =	shalt  }
0x4a: {  	_ =	shalt  }
0x4b: {  	_ =	shalt  }
0x4c: {  	_ =	shalt  }
0x4d: {  	_ =	shalt  }
0x4e: {  	_ =	shalt  }
0x4f: {  	_ =	shalt  }
0x50: {  	_ =	shalt  }
0x51: {  	_ =	shalt  }
0x52: {  	_ =	shalt  }
0x53: {  	_ =	shalt  }
0x54: {  	_ =	shalt  }
0x55: {  	_ =	shalt  }
0x56: {  	_ =	shalt  }
0x57: {  	_ =	shalt  }
0x58: {  	_ =	shalt  }
0x59: {  	_ =	shalt  }
0x5a: {  	_ =	shalt  }
0x5b: {  	_ =	shalt  }
0x5c: {  	_ =	shalt  }
0x5d: {  	_ =	shalt  }
0x5e: {  	_ =	shalt  }
0x5f: {  	_ =	shalt  }
0x60: {  	_ =	shalt  }
0x61: {  	_ =	shalt  }
0x62: {  	_ =	shalt  }
0x63: {  	_ =	shalt  }
0x64: {  	_ =	shalt  }
0x65: {  	_ =	shalt  }
0x66: {  	_ =	shalt  }
0x67: {  	_ =	shalt  }
0x68: {  	_ =	shalt  }
0x69: {  	_ =	shalt  }
0x6a: {  	_ =	shalt  }
0x6b: {  	_ =	shalt  }
0x6c: {  	_ =	shalt  }
0x6d: {  	_ =	shalt  }
0x6e: {  	_ =	shalt  }
0x6f: {  	_ =	shalt  }
0x70: {  	_ =	shalt  }
0x71: {  	_ =	shalt  }
0x72: {  	_ =	shalt  }
0x73: {  	_ =	shalt  }
0x74: {  	_ =	shalt  }
0x75: {  	_ =	shalt  }
0x76: {  	_ =	shalt  }
0x77: {  	_ =	shalt  }
0x78: {  	_ =	shalt  }
0x79: {  	_ =	shalt  }
0x7a: {  	_ =	shalt  }
0x7b: {  	_ =	shalt  }
0x7c: {  	_ =	shalt  }
0x7d: {  	_ =	shalt  }
0x7e: {  	_ =	shalt  }
0x7f: {  	_ =	shalt  }
0x80: {  	_ =	shalt  }
0x81: {  	_ =	shalt  }
0x82: {  	_ =	shalt  }
0x83: {  	_ =	shalt  }
0x84: {  	_ =	shalt  }
0x85: {  	_ =	shalt  }
0x86: {  	_ =	shalt  }
0x87: {  	_ =	shalt  }
.Lfunc_end0:
.L_simem_size_0:
called_computation.1_lowered:
.L_overlay_start_0:
0x88: {  	s2 =	sld [smem:$0x3FD9]  }
0x89: {  	s3 =	sld [smem:$0x3FFE];
	_ =	sdelay $0x1  }
0x8a: {  	s1 =	srdreg.scid  }
0x8b: {  	s0 =	sand.u32 $0x1, s1  }
0x8c: {  	s17 =	sshll.u32 s0, $0xA;
	s2 =	sadd.s32 s3, s2  }
0x8d: {  	s2 =	sadd.s32 s2, s17  }
0x8e: {  	[smem:$0x3FC6] =	sst s2  }
0x8f: {  	_ = 	snop  }
0x90: {  	s2 =	sld [smem:$0x3FD0];
	(tm) =	ssettm $0x1  }
0x91: {  	s18 =	sld [smem:$0x3FFB];
	_ =	sdelay $0x3  }
0x92: {  	_ =	strace s18  }
0x93: {  	s3 =	sld [smem:$0x3FFC];
	_ =	sdelay $0x3  }
0x94: {  	_ =	strace s3  }
0x95: {  	s3 =	sld [smem:$0x3FFD];
	_ =	sdelay $0x3  }
0x96: {  	_ =	strace s3  }
0x97: {  	_ =	strace $0x8FFFFFFF  }
0x98: {  	s19 =	sld [smem:$0x3FDB];
	_ =	sdelay $0x1  }
0x99: {  	s4 =	simm.s32 $_scs_section_size  }
0x9a: {  	s5 =	simm.s32 $_size__tile_overlayer_lowered;
	s6 =	simm.s32 $_tile_overlayer_lowered  }
0x9b: {  	s22 =	simm.s32 $0x1BFF;
	s21 =	sshll.u32 s6, $0x1;
	s3 =	sadd.s32 s4, s19  }
0x9c: {  	s7 =	simm.s32 $0x0;
	s20 =	sshll.u32 s5, $0x1;
	s5 =	sadd.s32 s21, s3  }
0x9d: {  	[timem:s7], [sflag:s22] =	dma.local [hbm:s5], s20  }
0x9e: {  	_ =	swait.ge [sflag:s22], s20  }
0x9f: {  	s4 =	ssub.s32 $0x0, s20;
	[sflag:s22] =	ssyncset.done $0x0  }
0xa0: {  	[sflag:s22] =	ssyncadd.s32 s4;
	_ =	sdelay $0x1  }
0xa1: {  	s23 =	simm.s32 $0x1B8B  }
0xa2: {  	_ =	swait.ge [sflag:s23], $0x1  }
0xa3: {  	[sflag:s23] =	ssyncset.done $0x0  }
0xa4: {  	s25 =	simm.s32 $0x1B8E;
	s24 =	sld [smem:$0x3FFE];
	[sflag:s23] =	ssyncadd.s32 $0xFFFFFFFF  }
0xa5: {  	s26 =	simm.s32 $execute0_lowered;
	[smem:$0x3FD2] =	sst s25  }
0xa6: {  	s5 =	sshll.u32 s26, $0x1;
	_ =	strace $0x80000046;
	[dreg:$0x1] =	wrdreg $0xFFFFFFFF  }
0xa7: {  	s28 =	simm.s32 $_size_execute0_lowered;
	s3 =	sadd.s32 s3, s5;
	[dreg:$0x0] =	wrdreg $0x0  }
0xa8: {  	s5 =	sshll.u32 s28, $0x1;
	[dreg:$0x2] =	wrdreg s3  }
0xa9: {  	[dreg:$0x3] =	wrdreg s5  }
0xaa: {  	[dreg:$0x4] =	wrdreg $0xC0  }
0xab: {  	_ =	task [dreg:s7], $0x5FFFF  }
0xac: {  	[dreg:$0x1] =	wrdreg $0xFFFFFFFF  }
0xad: {  	[dreg:$0x0] =	wrdreg $0x60  }
0xae: {  	[dreg:$0x2] =	wrdreg s24  }
0xaf: {  	[dreg:$0x3] =	wrdreg s2  }
0xb0: {  	[dreg:$0x4] =	wrdreg $0x9  }
0xb1: {  	_ =	task.clear_ibuf [dreg:s7], $0x5FFFF;
	_ =	strace $0x90000046  }
0xb2: {  	s29 =	simm.s32 $0x9;
	_ =	strace $0x80000048  }
0xb3: {  	_ =	swait.ge [sflag:s29], $0x1  }
0xb4: {  	[sflag:s29] =	ssyncadd.s32 $0xFFFFFFFF  }
0xb5: {  	_ =	strace $0x90000048  }
0xb6: {  	_ =	sfence  }
0xb7: {  	s30 =	sld [smem:$0x0];
	_ =	sdelay $0x2  }
0xb8: {  	s31 =	sshll.u32 s1, $0xD;
	s1 =	sshrl.u32 s1, $0x2  }
0xb9: {  	s3 =	sand.u32 $0x4000, s31;
	s1 =	sadd.s32 s1, s30  }
0xba: {  	s0 =	sor.u32 s3, s0;
	s1 =	sshll.u32 s1, $0x11  }
0xbb: {  	s0 =	sor.u32 s1, s0  }
0xbc: {  	s0 =	sadd.s32 $0x8F2B, s0  }
0xbd: {  	[sflag:s0] =	ssyncadd.remote.s32 $0x1  }
0xbe: {  	_ =	sfence.sel $0xFFFF  }
0xbf: {  	[dreg:$0x0] =	wrdreg $0xFFFFFFFF;
	(pc) =	sbr.abs _section_cstart, $3  }
0xc0: {  	[dreg:$0x1] =	wrdreg $0xFFFFFFFF  }
0xc1: {  	_ =	task.clear_ibuf [dreg:s7], $0x2FFFF;
	_ =	strace $0x9FFFFFFF  }
0xc2: {  	(tm) =	ssettm $0x7FFFFFFF  }
0xc3: {  	_ =	shalt  }
tec
execute0_lowered:
.L_overlay_start_1:
0x0: {  	(tag) =	ssettag $0x1  }
0x1: {  	s0 =	srdreg.scid  }
0x2: {  	s1 =	stileid.u32;
	s9 =	rddreg [dreg:$0x0]  }
0x3: {  	s4 =	rddreg [dreg:$0x1];
	s6 =	simm.s32 $0x0;
	s19 =	simm.s32 $0x9  }
0x4: {  	s20 =	simm.s32 $0x640;
	s28 =	simm.s32 $0x19A8;
	s29 =	simm.s32 $0x14BE8  }
0x5: {  	s30 =	simm.s32 $0x1;
	s0 =	sand.u32 $0x1, s0;
	s1 =	sshll.u32 s1, $0x1  }
0x6: {  	s31 =	simm.s32 $0x2;
	s15 =	simm.s32 $0x0;
	s1 =	sor.u32 s0, s1  }
0x7: {  	[smem:$0x7FF] =	sst s6;
	s0 =	ssub.s32 $0x2, s0;
	s2 =	smul.u32 $0xC800, s1  }
0x8: {  	_ =	strace $0x80000047;
	s1 =	smul.u32 $0x1A00, s1;
	s13 =	sshrl.u32 s0, $0x1  }
0x9: {  	s0 =	ssub.s32 s0, s13;
	s13 =	simm.s32 $0x8;
	s3 =	sor.u32 $0x640, s2  }
0xa: {  	s7 =	sadd.s32 $0x12C0, s2;
	s24 =	sadd.s32 $0x1900, s2;
	s25 =	sadd.s32 $0x1F40, s2  }
0xb: {  	s26 =	sadd.s32 $0x2580, s2;
	s5 =	smulhi.u32 $0x28F5C29, s3;
	[dreg:$0x7] =	wrdreg s24  }
0xc: {  	s0 =	smax.u32 s0, $0x1;
	s11 =	smulhi.u32 $0x28F5C29, s7;
	[dreg:$0x8] =	wrdreg s25  }
0xd: {  	[dreg:$0x9] =	wrdreg s26;
	s10 =	smul.u32 $0xD, s5;
	s5 =	sadd.s32 $0xC80, s2  }
0xe: {  	s17 =	sadd.s32 $0x2BC0, s2;
	[dreg:$0xa] =	wrdreg s0;
	s8 =	smulhi.u32 $0x28F5C29, s5  }
0xf: {  	s24 =	simm.s32 $0x83E8;
	s26 =	simm.s32 $0xE7E8;
	s11 =	smul.u32 $0xD, s11  }
0x10: {  	s0 =	simm.s32 $0x4;
	s12 =	smul.u32 $0xD, s8;
	s8 =	sadd.s32 $0x1000, s9  }
.Ltmp0:
0x11: {  	v0 =	vlaneseq.u32;
	s9 =	sadd.s32 $0x35000, s9;
	s1 =	sadd.s32 s8, s1;
	(pc) =	sbr.rel .LBB2_1-.Ltmp0, $4  }
0x12: {  	v0 =	vmul.u32 $0x400, v0;
	s21 =	sadd.s32 s8, s10;
	s23 =	sadd.s32 s8, s11;
	[dreg:$0x3] =	wrdreg s1  }
0x13: {  	s10 =	simm.s32 $0x5;
	s11 =	simm.s32 $0x6;
	[dreg:$0x4] =	wrdreg s21  }
0x14: {  	v1 =	vor.u32 $0x4000, v0;
	v2 =	vor.u32 $0x8000, v0;
	v3 =	vor.u32 $0xC000, v0;
	s22 =	sadd.s32 s8, s12;
	[dreg:$0x6] =	wrdreg s23;
	s1 =	simm.s32 $0x3  }
0x15: {  	v4 =	vor.u32 $0x10000, v0;
	v5 =	vor.u32 $0x14000, v0;
	v6 =	vadd.s32 $0x15000, v0;
	s12 =	simm.s32 $0x7;
	[dreg:$0x5] =	wrdreg s22;
	s22 =	simm.s32 $0x1FE8  }
.LBB2_26:
0x16: {  	_ =	swait.ge [sflag:s10], $0x6400  }
0x17: {  	[sflag:s10] =	ssyncset.done $0x0  }
0x18: {  	[sflag:s10] =	ssyncadd.s32 $0xFFFF9C00  }
0x19: {  	_ =	swait.ge [sflag:s11], $0x6400  }
0x1a: {  	[sflag:s11] =	ssyncset.done $0x0  }
0x1b: {  	[sflag:s11] =	ssyncadd.s32 $0xFFFF9C00  }
0x1c: {  	_ =	swait.ge [sflag:s12], $0x6400  }
0x1d: {  	[sflag:s12] =	ssyncset.done $0x0  }
0x1e: {  	[sflag:s12] =	ssyncadd.s32 $0xFFFF9C00  }
0x1f: {  	_ =	swait.ge [sflag:s13], $0x6400  }
0x20: {  	s15 =	rddreg [dreg:$0xb]  }
0x21: {  	s14 =	rddreg [dreg:$0xa];
	s15 =	sadd.s32 $0x1, s15  }
0x22: {  	p0 =	sne.s32 s15, s14  }
.Ltmp1:
0x23: {  	_ = 	snop;
	(pc) =	sbr.rel @!p0 .LBB2_27-.Ltmp1, $3  }
0x24: {  	_ =	sdelay $0x1  }
0x25: {  	[sflag:s13] =	ssyncset.done $0x0  }
0x26: {  	[sflag:s13] =	ssyncadd.s32 $0xFFFF9C00  }
.LBB2_1:
0x27: {  	[tilespmem:$0x680] =	vst v0  }
0x28: {  	[tilespmem:$0x690] =	vst v1  }
0x29: {  	[tilespmem:$0x6A0] =	vst v2  }
0x2a: {  	[tilespmem:$0x6B0] =	vst v3  }
0x2b: {  	[tilespmem:$0x6C0] =	vst v4  }
0x2c: {  	[dreg:$0xb] =	wrdreg s15;
	[tilespmem:$0x6D0] =	vst v5  }
0x2d: {  	s14 =	rddreg [dreg:$0x3];
	[tilespmem:$0x6D4] =	vst v6  }
0x2e: {  	[tilespmem:s6], [sflag:$0x9] =	stream.linear.gather [hbm4b:s14+s6], $0x680, $0x38;
	[tilespmem:$0x1AFE8] =	vst v63  }
0x2f: {  	_ =	swait.ge [sflag:s19], $0x680  }
0x30: {  	[sflag:s19] =	ssyncset.done $0x0  }
0x31: {  	s18 =	simm.s32 $0x30;
	[sflag:s19] =	ssyncadd.s32 $0xFFFFF980  }
0x32: {  	v7 =	vld [tilespmem:s18+$0xFFFFFFD0]  }
0x33: {  	v8 =	vld [tilespmem:$0x680];
	_ =	sdelay $0x4  }
0x34: {  	s23 =	simm.s32 $0x6E8;
	v7 =	vadd.s32 v7, v8  }
0x35: {  	[tilespmem:s23+$0x0] =	vst v7  }
0x36: {  	v7 =	vld [tilespmem:$0x690]  }
0x37: {  	v8 =	vld [tilespmem:s18+$0xFFFFFFE0];
	_ =	sdelay $0x4  }
0x38: {  	s25 =	sand.u32 $0x7FC, s6;
	v7 =	vadd.s32 v8, v7  }
0x39: {  	[tilespmem:s25+$0x6F8] =	vst v7  }
0x3a: {  	v7 =	vld [tilespmem:s18+$0xFFFFFFF0]  }
0x3b: {  	v8 =	vld [tilespmem:$0x6A0];
	_ =	sdelay $0x4  }
0x3c: {  	v7 =	vadd.s32 v7, v8  }
0x3d: {  	[tilespmem:s25+$0x708] =	vst v7  }
0x3e: {  	v7 =	vld [tilespmem:s18+$0x0]  }
0x3f: {  	v8 =	vld [tilespmem:$0x6B0];
	_ =	sdelay $0x4  }
0x40: {  	v7 =	vadd.s32 v7, v8  }
0x41: {  	[tilespmem:s25+$0x718] =	vst v7  }
0x42: {  	v7 =	vld [tilespmem:s18+$0x10]  }
0x43: {  	v8 =	vld [tilespmem:$0x6C0];
	_ =	sdelay $0x4  }
0x44: {  	v7 =	vadd.s32 v7, v8  }
0x45: {  	[tilespmem:s25+$0x728] =	vst v7  }
0x46: {  	v7 =	vld [tilespmem:s18+$0x20]  }
0x47: {  	v8 =	vld [tilespmem:$0x6D0];
	_ =	sdelay $0x4  }
0x48: {  	v7 =	vadd.s32 v7, v8  }
0x49: {  	[tilespmem:s25+$0x738] =	vst v7  }
0x4a: {  	s21 =	simm.s32 $0x64;
	s14 =	simm.s32 $0x6E8;
	s23 =	simm.s32 $0x6E8;
	v7 =	vld [tilespmem:s18+$0x24]  }
.LBB2_2:
0x4b: {  	p0 =	sne.s32 s21, $0x5DC;
	v8 =	vld [tilespmem:$0x6D4];
	s18 =	sadd.s32 $0x68, s18;
	s14 =	sadd.s32 $0x64, s14  }
0x4c: {  	s15 =	smov.u32 s21;
	s21 =	sadd.s32 $0x64, s21;
	_ =	sdelay $0x3  }
0x4d: {  	v7 =	vadd.s32 v7, v8  }
0x4e: {  	[tilespmem:s23+$0x54] =	vst v7;
	s23 =	smov.u32 s14  }
0x4f: {  	v7 =	vld [tilespmem:s18+$0xFFFFFFD0]  }
0x50: {  	v8 =	vld [tilespmem:$0x680];
	_ =	sdelay $0x4  }
0x51: {  	v7 =	vadd.s32 v7, v8  }
0x52: {  	[tilespmem:s14+$0x0] =	vst v7  }
0x53: {  	v7 =	vld [tilespmem:$0x690]  }
0x54: {  	v8 =	vld [tilespmem:s18+$0xFFFFFFE0];
	_ =	sdelay $0x3  }
0x55: {  	s15 =	sand.u32 $0x7FC, s15  }
0x56: {  	v7 =	vadd.s32 v8, v7  }
0x57: {  	[tilespmem:s15+$0x6F8] =	vst v7  }
0x58: {  	v7 =	vld [tilespmem:s18+$0xFFFFFFF0]  }
0x59: {  	v8 =	vld [tilespmem:$0x6A0];
	_ =	sdelay $0x4  }
0x5a: {  	v7 =	vadd.s32 v7, v8  }
0x5b: {  	[tilespmem:s15+$0x708] =	vst v7  }
0x5c: {  	v7 =	vld [tilespmem:s18+$0x0]  }
0x5d: {  	v8 =	vld [tilespmem:$0x6B0];
	_ =	sdelay $0x4  }
0x5e: {  	v7 =	vadd.s32 v7, v8  }
0x5f: {  	[tilespmem:s15+$0x718] =	vst v7  }
0x60: {  	v7 =	vld [tilespmem:s18+$0x10]  }
0x61: {  	v8 =	vld [tilespmem:$0x6C0];
	_ =	sdelay $0x4  }
0x62: {  	v7 =	vadd.s32 v7, v8  }
0x63: {  	[tilespmem:s15+$0x728] =	vst v7  }
0x64: {  	v7 =	vld [tilespmem:s18+$0x20]  }
0x65: {  	v8 =	vld [tilespmem:$0x6D0];
	_ =	sdelay $0x2  }
.Ltmp2:
0x66: {  	(pc) =	sbr.rel @p0 .LBB2_2-.Ltmp2, $4  }
0x67: {  	_ = 	snop  }
0x68: {  	v7 =	vadd.s32 v7, v8  }
0x69: {  	[tilespmem:s15+$0x738] =	vst v7  }
0x6a: {  	v7 =	vld [tilespmem:s18+$0x24]  }
0x6b: {  	v8 =	vld [tilespmem:$0x6D4];
	_ =	sdelay $0x4  }
0x6c: {  	v7 =	vadd.s32 v7, v8  }
0x6d: {  	s14 =	simm.s32 $0x6E8;
	[tilespmem:s23+$0x54] =	vst v7  }
0x6e: {  	[tilespmem:s22], [sflag:$0x1] =	stream.indirect.gather [hbm4b:s9+s20], $0x10, s14, s20, $0xb8;
	[tilespmem:$0x1AFE8] =	vst v63  }
0x6f: {  	s25 =	simm.s32 $0x0;
	s15 =	rddreg [dreg:$0x4]  }
0x70: {  	[tilespmem:s25], [sflag:$0x9] =	stream.linear.gather [hbm4b:s15+s25], $0x680, $0x38;
	[tilespmem:$0x1AFE8] =	vst v63  }
0x71: {  	_ =	swait.ge [sflag:s19], $0x680  }
0x72: {  	[sflag:s19] =	ssyncset.done $0x0  }
0x73: {  	s18 =	simm.s32 $0x30;
	[sflag:s19] =	ssyncadd.s32 $0xFFFFF980  }
0x74: {  	v7 =	vld [tilespmem:s18+$0xFFFFFFD0]  }
0x75: {  	v8 =	vld [tilespmem:$0x680];
	_ =	sdelay $0x4  }
0x76: {  	s23 =	simm.s32 $0xD28;
	v7 =	vadd.s32 v7, v8  }
0x77: {  	[tilespmem:s23+$0x0] =	vst v7  }
0x78: {  	v7 =	vld [tilespmem:$0x690]  }
0x79: {  	v8 =	vld [tilespmem:s18+$0xFFFFFFE0];
	_ =	sdelay $0x4  }
0x7a: {  	s14 =	sand.u32 $0x7FC, s25;
	v7 =	vadd.s32 v8, v7  }
0x7b: {  	[tilespmem:s14+$0xD38] =	vst v7  }
0x7c: {  	v7 =	vld [tilespmem:s18+$0xFFFFFFF0]  }
0x7d: {  	v8 =	vld [tilespmem:$0x6A0];
	_ =	sdelay $0x4  }
0x7e: {  	v7 =	vadd.s32 v7, v8  }
0x7f: {  	[tilespmem:s14+$0xD48] =	vst v7  }
0x80: {  	v7 =	vld [tilespmem:s18+$0x0]  }
0x81: {  	v8 =	vld [tilespmem:$0x6B0];
	_ =	sdelay $0x4  }
0x82: {  	v7 =	vadd.s32 v7, v8  }
0x83: {  	[tilespmem:s14+$0xD58] =	vst v7  }
0x84: {  	v7 =	vld [tilespmem:s18+$0x10]  }
0x85: {  	v8 =	vld [tilespmem:$0x6C0];
	_ =	sdelay $0x4  }
0x86: {  	v7 =	vadd.s32 v7, v8  }
0x87: {  	[tilespmem:s14+$0xD68] =	vst v7  }
0x88: {  	v7 =	vld [tilespmem:s18+$0x20]  }
0x89: {  	v8 =	vld [tilespmem:$0x6D0];
	_ =	sdelay $0x4  }
0x8a: {  	v7 =	vadd.s32 v7, v8  }
0x8b: {  	[tilespmem:s14+$0xD78] =	vst v7  }
0x8c: {  	s21 =	simm.s32 $0xD28;
	s14 =	simm.s32 $0x64;
	v7 =	vld [tilespmem:s18+$0x24]  }
.LBB2_4:
0x8d: {  	p0 =	sne.s32 s14, $0x5DC;
	v8 =	vld [tilespmem:$0x6D4];
	s18 =	sadd.s32 $0x68, s18;
	s23 =	sadd.s32 $0x64, s23  }
0x8e: {  	s15 =	smov.u32 s14;
	s14 =	sadd.s32 $0x64, s14;
	_ =	sdelay $0x3  }
0x8f: {  	v7 =	vadd.s32 v7, v8  }
0x90: {  	[tilespmem:s21+$0x54] =	vst v7;
	s21 =	smov.u32 s23  }
0x91: {  	v7 =	vld [tilespmem:s18+$0xFFFFFFD0]  }
0x92: {  	v8 =	vld [tilespmem:$0x680];
	_ =	sdelay $0x4  }
0x93: {  	v7 =	vadd.s32 v7, v8  }
0x94: {  	[tilespmem:s23+$0x0] =	vst v7  }
0x95: {  	v7 =	vld [tilespmem:$0x690]  }
0x96: {  	v8 =	vld [tilespmem:s18+$0xFFFFFFE0];
	_ =	sdelay $0x3  }
0x97: {  	s15 =	sand.u32 $0x7FC, s15  }
0x98: {  	v7 =	vadd.s32 v8, v7  }
0x99: {  	[tilespmem:s15+$0xD38] =	vst v7  }
0x9a: {  	v7 =	vld [tilespmem:s18+$0xFFFFFFF0]  }
0x9b: {  	v8 =	vld [tilespmem:$0x6A0];
	_ =	sdelay $0x4  }
0x9c: {  	v7 =	vadd.s32 v7, v8  }
0x9d: {  	[tilespmem:s15+$0xD48] =	vst v7  }
0x9e: {  	v7 =	vld [tilespmem:s18+$0x0]  }
0x9f: {  	v8 =	vld [tilespmem:$0x6B0];
	_ =	sdelay $0x4  }
0xa0: {  	v7 =	vadd.s32 v7, v8  }
0xa1: {  	[tilespmem:s15+$0xD58] =	vst v7  }
0xa2: {  	v7 =	vld [tilespmem:s18+$0x10]  }
0xa3: {  	v8 =	vld [tilespmem:$0x6C0];
	_ =	sdelay $0x4  }
0xa4: {  	v7 =	vadd.s32 v7, v8  }
0xa5: {  	[tilespmem:s15+$0xD68] =	vst v7  }
0xa6: {  	v7 =	vld [tilespmem:s18+$0x20]  }
0xa7: {  	v8 =	vld [tilespmem:$0x6D0];
	_ =	sdelay $0x2  }
.Ltmp3:
0xa8: {  	(pc) =	sbr.rel @p0 .LBB2_4-.Ltmp3, $4  }
0xa9: {  	_ = 	snop  }
0xaa: {  	v7 =	vadd.s32 v7, v8  }
0xab: {  	[tilespmem:s15+$0xD78] =	vst v7  }
0xac: {  	v7 =	vld [tilespmem:s18+$0x24]  }
0xad: {  	v8 =	vld [tilespmem:$0x6D4];
	_ =	sdelay $0x4  }
0xae: {  	v7 =	vadd.s32 v7, v8  }
0xaf: {  	s14 =	simm.s32 $0xD28;
	[tilespmem:s21+$0x54] =	vst v7  }
0xb0: {  	[tilespmem:s24], [sflag:$0x2] =	stream.indirect.gather [hbm4b:s9+s20], $0x10, s14, s20, $0xb8;
	[tilespmem:$0x1AFE8] =	vst v63  }
0xb1: {  	s25 =	simm.s32 $0x0;
	s15 =	rddreg [dreg:$0x5]  }
0xb2: {  	[tilespmem:s25], [sflag:$0x9] =	stream.linear.gather [hbm4b:s15+s25], $0x680, $0x38;
	[tilespmem:$0x1AFE8] =	vst v63  }
0xb3: {  	_ =	swait.ge [sflag:s19], $0x680  }
0xb4: {  	[sflag:s19] =	ssyncset.done $0x0  }
0xb5: {  	s18 =	simm.s32 $0x30;
	[sflag:s19] =	ssyncadd.s32 $0xFFFFF980  }
0xb6: {  	v7 =	vld [tilespmem:s18+$0xFFFFFFD0]  }
0xb7: {  	v8 =	vld [tilespmem:$0x680];
	_ =	sdelay $0x4  }
0xb8: {  	s23 =	simm.s32 $0x1368;
	v7 =	vadd.s32 v7, v8  }
0xb9: {  	[tilespmem:s23+$0x0] =	vst v7  }
0xba: {  	v7 =	vld [tilespmem:$0x690]  }
0xbb: {  	v8 =	vld [tilespmem:s18+$0xFFFFFFE0];
	_ =	sdelay $0x4  }
0xbc: {  	s14 =	sand.u32 $0x7FC, s25;
	v7 =	vadd.s32 v8, v7  }
0xbd: {  	[tilespmem:s14+$0x1378] =	vst v7  }
0xbe: {  	v7 =	vld [tilespmem:s18+$0xFFFFFFF0]  }
0xbf: {  	v8 =	vld [tilespmem:$0x6A0];
	_ =	sdelay $0x4  }
0xc0: {  	v7 =	vadd.s32 v7, v8  }
0xc1: {  	[tilespmem:s14+$0x1388] =	vst v7  }
0xc2: {  	v7 =	vld [tilespmem:s18+$0x0]  }
0xc3: {  	v8 =	vld [tilespmem:$0x6B0];
	_ =	sdelay $0x4  }
0xc4: {  	v7 =	vadd.s32 v7, v8  }
0xc5: {  	[tilespmem:s14+$0x1398] =	vst v7  }
0xc6: {  	v7 =	vld [tilespmem:s18+$0x10]  }
0xc7: {  	v8 =	vld [tilespmem:$0x6C0];
	_ =	sdelay $0x4  }
0xc8: {  	v7 =	vadd.s32 v7, v8  }
0xc9: {  	[tilespmem:s14+$0x13A8] =	vst v7  }
0xca: {  	v7 =	vld [tilespmem:s18+$0x20]  }
0xcb: {  	v8 =	vld [tilespmem:$0x6D0];
	_ =	sdelay $0x4  }
0xcc: {  	v7 =	vadd.s32 v7, v8  }
0xcd: {  	[tilespmem:s14+$0x13B8] =	vst v7  }
0xce: {  	s21 =	simm.s32 $0x1368;
	s14 =	simm.s32 $0x64;
	v7 =	vld [tilespmem:s18+$0x24]  }
.LBB2_6:
0xcf: {  	p0 =	sne.s32 s14, $0x5DC;
	v8 =	vld [tilespmem:$0x6D4];
	s18 =	sadd.s32 $0x68, s18;
	s23 =	sadd.s32 $0x64, s23  }
0xd0: {  	s15 =	smov.u32 s14;
	s14 =	sadd.s32 $0x64, s14;
	_ =	sdelay $0x3  }
0xd1: {  	v7 =	vadd.s32 v7, v8  }
0xd2: {  	[tilespmem:s21+$0x54] =	vst v7;
	s21 =	smov.u32 s23  }
0xd3: {  	v7 =	vld [tilespmem:s18+$0xFFFFFFD0]  }
0xd4: {  	v8 =	vld [tilespmem:$0x680];
	_ =	sdelay $0x4  }
0xd5: {  	v7 =	vadd.s32 v7, v8  }
0xd6: {  	[tilespmem:s23+$0x0] =	vst v7  }
0xd7: {  	v7 =	vld [tilespmem:$0x690]  }
0xd8: {  	v8 =	vld [tilespmem:s18+$0xFFFFFFE0];
	_ =	sdelay $0x3  }
0xd9: {  	s15 =	sand.u32 $0x7FC, s15  }
0xda: {  	v7 =	vadd.s32 v8, v7  }
0xdb: {  	[tilespmem:s15+$0x1378] =	vst v7  }
0xdc: {  	v7 =	vld [tilespmem:s18+$0xFFFFFFF0]  }
0xdd: {  	v8 =	vld [tilespmem:$0x6A0];
	_ =	sdelay $0x4  }
0xde: {  	v7 =	vadd.s32 v7, v8  }
0xdf: {  	[tilespmem:s15+$0x1388] =	vst v7  }
0xe0: {  	v7 =	vld [tilespmem:s18+$0x0]  }
0xe1: {  	v8 =	vld [tilespmem:$0x6B0];
	_ =	sdelay $0x4  }
0xe2: {  	v7 =	vadd.s32 v7, v8  }
0xe3: {  	[tilespmem:s15+$0x1398] =	vst v7  }
0xe4: {  	v7 =	vld [tilespmem:s18+$0x10]  }
0xe5: {  	v8 =	vld [tilespmem:$0x6C0];
	_ =	sdelay $0x4  }
0xe6: {  	v7 =	vadd.s32 v7, v8  }
0xe7: {  	[tilespmem:s15+$0x13A8] =	vst v7  }
0xe8: {  	v7 =	vld [tilespmem:s18+$0x20]  }
0xe9: {  	v8 =	vld [tilespmem:$0x6D0];
	_ =	sdelay $0x2  }
.Ltmp4:
0xea: {  	(pc) =	sbr.rel @p0 .LBB2_6-.Ltmp4, $4  }
0xeb: {  	_ = 	snop  }
0xec: {  	v7 =	vadd.s32 v7, v8  }
0xed: {  	[tilespmem:s15+$0x13B8] =	vst v7  }
0xee: {  	v7 =	vld [tilespmem:s18+$0x24]  }
0xef: {  	v8 =	vld [tilespmem:$0x6D4];
	_ =	sdelay $0x4  }
0xf0: {  	v7 =	vadd.s32 v7, v8  }
0xf1: {  	s14 =	simm.s32 $0x1368;
	[tilespmem:s21+$0x54] =	vst v7  }
0xf2: {  	[tilespmem:s26], [sflag:$0x3] =	stream.indirect.gather [hbm4b:s9+s20], $0x10, s14, s20, $0xb8;
	[tilespmem:$0x1AFE8] =	vst v63  }
0xf3: {  	s25 =	simm.s32 $0x0;
	s15 =	rddreg [dreg:$0x6]  }
0xf4: {  	[tilespmem:s25], [sflag:$0x9] =	stream.linear.gather [hbm4b:s15+s25], $0x680, $0x38;
	[tilespmem:$0x1AFE8] =	vst v63  }
0xf5: {  	_ =	swait.ge [sflag:s19], $0x680  }
0xf6: {  	[sflag:s19] =	ssyncset.done $0x0  }
0xf7: {  	s18 =	simm.s32 $0x30;
	[sflag:s19] =	ssyncadd.s32 $0xFFFFF980  }
0xf8: {  	v7 =	vld [tilespmem:s18+$0xFFFFFFD0]  }
0xf9: {  	v8 =	vld [tilespmem:$0x680];
	_ =	sdelay $0x4  }
0xfa: {  	s23 =	simm.s32 $0x19A8;
	v7 =	vadd.s32 v7, v8  }
0xfb: {  	[tilespmem:s23+$0x0] =	vst v7  }
0xfc: {  	v7 =	vld [tilespmem:$0x690]  }
0xfd: {  	v8 =	vld [tilespmem:s18+$0xFFFFFFE0];
	_ =	sdelay $0x4  }
0xfe: {  	s14 =	sand.u32 $0x7FC, s25;
	v7 =	vadd.s32 v8, v7  }
0xff: {  	[tilespmem:s14+$0x19B8] =	vst v7  }
0x100: {  	v7 =	vld [tilespmem:s18+$0xFFFFFFF0]  }
0x101: {  	v8 =	vld [tilespmem:$0x6A0];
	_ =	sdelay $0x4  }
0x102: {  	v7 =	vadd.s32 v7, v8  }
0x103: {  	[tilespmem:s14+$0x19C8] =	vst v7  }
0x104: {  	v7 =	vld [tilespmem:s18+$0x0]  }
0x105: {  	v8 =	vld [tilespmem:$0x6B0];
	_ =	sdelay $0x4  }
0x106: {  	v7 =	vadd.s32 v7, v8  }
0x107: {  	[tilespmem:s14+$0x19D8] =	vst v7  }
0x108: {  	v7 =	vld [tilespmem:s18+$0x10]  }
0x109: {  	v8 =	vld [tilespmem:$0x6C0];
	_ =	sdelay $0x4  }
0x10a: {  	v7 =	vadd.s32 v7, v8  }
0x10b: {  	[tilespmem:s14+$0x19E8] =	vst v7  }
0x10c: {  	v7 =	vld [tilespmem:s18+$0x20]  }
0x10d: {  	v8 =	vld [tilespmem:$0x6D0];
	_ =	sdelay $0x4  }
0x10e: {  	v7 =	vadd.s32 v7, v8  }
0x10f: {  	[tilespmem:s14+$0x19F8] =	vst v7  }
0x110: {  	s21 =	simm.s32 $0x19A8;
	s14 =	simm.s32 $0x64;
	v7 =	vld [tilespmem:s18+$0x24]  }
.LBB2_8:
0x111: {  	p0 =	sne.s32 s14, $0x5DC;
	v8 =	vld [tilespmem:$0x6D4];
	s18 =	sadd.s32 $0x68, s18;
	s23 =	sadd.s32 $0x64, s23  }
0x112: {  	s15 =	smov.u32 s14;
	s14 =	sadd.s32 $0x64, s14;
	_ =	sdelay $0x3  }
0x113: {  	v7 =	vadd.s32 v7, v8  }
0x114: {  	[tilespmem:s21+$0x54] =	vst v7;
	s21 =	smov.u32 s23  }
0x115: {  	v7 =	vld [tilespmem:s18+$0xFFFFFFD0]  }
0x116: {  	v8 =	vld [tilespmem:$0x680];
	_ =	sdelay $0x4  }
0x117: {  	v7 =	vadd.s32 v7, v8  }
0x118: {  	[tilespmem:s23+$0x0] =	vst v7  }
0x119: {  	v7 =	vld [tilespmem:$0x690]  }
0x11a: {  	v8 =	vld [tilespmem:s18+$0xFFFFFFE0];
	_ =	sdelay $0x3  }
0x11b: {  	s15 =	sand.u32 $0x7FC, s15  }
0x11c: {  	v7 =	vadd.s32 v8, v7  }
0x11d: {  	[tilespmem:s15+$0x19B8] =	vst v7  }
0x11e: {  	v7 =	vld [tilespmem:s18+$0xFFFFFFF0]  }
0x11f: {  	v8 =	vld [tilespmem:$0x6A0];
	_ =	sdelay $0x4  }
0x120: {  	v7 =	vadd.s32 v7, v8  }
0x121: {  	[tilespmem:s15+$0x19C8] =	vst v7  }
0x122: {  	v7 =	vld [tilespmem:s18+$0x0]  }
0x123: {  	v8 =	vld [tilespmem:$0x6B0];
	_ =	sdelay $0x4  }
0x124: {  	v7 =	vadd.s32 v7, v8  }
0x125: {  	[tilespmem:s15+$0x19D8] =	vst v7  }
0x126: {  	v7 =	vld [tilespmem:s18+$0x10]  }
0x127: {  	v8 =	vld [tilespmem:$0x6C0];
	_ =	sdelay $0x4  }
0x128: {  	v7 =	vadd.s32 v7, v8  }
0x129: {  	[tilespmem:s15+$0x19E8] =	vst v7  }
0x12a: {  	v7 =	vld [tilespmem:s18+$0x20]  }
0x12b: {  	v8 =	vld [tilespmem:$0x6D0];
	_ =	sdelay $0x2  }
.Ltmp5:
0x12c: {  	(pc) =	sbr.rel @p0 .LBB2_8-.Ltmp5, $4  }
0x12d: {  	_ = 	snop  }
0x12e: {  	v7 =	vadd.s32 v7, v8  }
0x12f: {  	[tilespmem:s15+$0x19F8] =	vst v7  }
0x130: {  	v7 =	vld [tilespmem:s18+$0x24]  }
0x131: {  	v8 =	vld [tilespmem:$0x6D4];
	_ =	sdelay $0x4  }
0x132: {  	v7 =	vadd.s32 v7, v8  }
0x133: {  	s18 =	simm.s32 $0x0;
	[tilespmem:s21+$0x54] =	vst v7  }
0x134: {  	[tilespmem:s29], [sflag:$0x4] =	stream.indirect.gather [hbm4b:s9+s20], $0x10, s28, s20, $0xb8;
	[tilespmem:$0x1AFE8] =	vst v63  }
.LBB2_10:
0x135: {  	s23 =	smul.u32 $0x1900, s18;
	p0 =	seq.s32 s18, $0x7  }
.Ltmp6:
0x136: {  	_ = 	snop;
	(pc) =	sbr.rel @p0 .LBB2_14-.Ltmp6, $4  }
0x137: {  	_ =	swait.ge [sflag:s30], $0x6400;
	s14 =	sadd.s32 s2, s23  }
0x138: {  	[sflag:s30] =	ssyncset.done $0x0;
	s14 =	sshll.u32 s14, $0x1  }
0x139: {  	[sflag:s30] =	ssyncadd.s32 $0xFFFF9C00;
	s14 =	sadd.s32 s4, s14  }
0x13a: {  	[hbm4b:s14+s6] =	stream.linear.scatter [tilespmem:s22], [sflag:$0x5], $0x6400, $0x38;
	[tilespmem:$0x1AFE8] =	vst v63  }
0x13b: {  	s14 =	rddreg [dreg:$0x7]  }
0x13c: {  	s14 =	sadd.s32 s23, s14  }
0x13d: {  	s14 =	smulhi.u32 $0x51EB851F, s14;
	_ =	sdelay $0x1  }
0x13e: {  	s14 =	sshrl.u32 s14, $0x5  }
0x13f: {  	s14 =	smul.u32 $0xD, s14;
	_ =	sdelay $0x1  }
0x140: {  	s15 =	simm.s32 $0x0;
	s14 =	sadd.s32 s8, s14  }
0x141: {  	[tilespmem:s15], [sflag:$0x9] =	stream.linear.gather [hbm4b:s14+s15], $0x680, $0x38;
	[tilespmem:$0x1AFE8] =	vst v63  }
0x142: {  	_ =	swait.ge [sflag:s19], $0x680  }
0x143: {  	[sflag:s19] =	ssyncset.done $0x0  }
0x144: {  	s25 =	simm.s32 $0x30;
	[sflag:s19] =	ssyncadd.s32 $0xFFFFF980  }
0x145: {  	v7 =	vld [tilespmem:s25+$0xFFFFFFD0]  }
0x146: {  	v8 =	vld [tilespmem:$0x680];
	_ =	sdelay $0x4  }
0x147: {  	s21 =	simm.s32 $0x6E8;
	v7 =	vadd.s32 v7, v8  }
0x148: {  	[tilespmem:s21+$0x0] =	vst v7  }
0x149: {  	v7 =	vld [tilespmem:$0x690]  }
0x14a: {  	v8 =	vld [tilespmem:s25+$0xFFFFFFE0];
	_ =	sdelay $0x4  }
0x14b: {  	s16 =	sand.u32 $0x7FC, s15;
	v7 =	vadd.s32 v8, v7  }
0x14c: {  	[tilespmem:s16+$0x6F8] =	vst v7  }
0x14d: {  	v7 =	vld [tilespmem:s25+$0xFFFFFFF0]  }
0x14e: {  	v8 =	vld [tilespmem:$0x6A0];
	_ =	sdelay $0x4  }
0x14f: {  	v7 =	vadd.s32 v7, v8  }
0x150: {  	[tilespmem:s16+$0x708] =	vst v7  }
0x151: {  	v7 =	vld [tilespmem:s25+$0x0]  }
0x152: {  	v8 =	vld [tilespmem:$0x6B0];
	_ =	sdelay $0x4  }
0x153: {  	v7 =	vadd.s32 v7, v8  }
0x154: {  	[tilespmem:s16+$0x718] =	vst v7  }
0x155: {  	v7 =	vld [tilespmem:s25+$0x10]  }
0x156: {  	v8 =	vld [tilespmem:$0x6C0];
	_ =	sdelay $0x4  }
0x157: {  	v7 =	vadd.s32 v7, v8  }
0x158: {  	[tilespmem:s16+$0x728] =	vst v7  }
0x159: {  	v7 =	vld [tilespmem:s25+$0x20]  }
0x15a: {  	v8 =	vld [tilespmem:$0x6D0];
	_ =	sdelay $0x4  }
0x15b: {  	v7 =	vadd.s32 v7, v8  }
0x15c: {  	[tilespmem:s16+$0x738] =	vst v7  }
0x15d: {  	s15 =	simm.s32 $0x64;
	s14 =	simm.s32 $0x6E8;
	v7 =	vld [tilespmem:s25+$0x24]  }
.LBB2_12:
0x15e: {  	p1 =	sne.s32 s15, $0x5DC;
	v8 =	vld [tilespmem:$0x6D4];
	s25 =	sadd.s32 $0x68, s25;
	s21 =	sadd.s32 $0x64, s21  }
0x15f: {  	s16 =	smov.u32 s15;
	s15 =	sadd.s32 $0x64, s15;
	_ =	sdelay $0x3  }
0x160: {  	v7 =	vadd.s32 v7, v8  }
0x161: {  	[tilespmem:s14+$0x54] =	vst v7;
	s14 =	smov.u32 s21  }
0x162: {  	v7 =	vld [tilespmem:s25+$0xFFFFFFD0]  }
0x163: {  	v8 =	vld [tilespmem:$0x680];
	_ =	sdelay $0x4  }
0x164: {  	v7 =	vadd.s32 v7, v8  }
0x165: {  	[tilespmem:s21+$0x0] =	vst v7  }
0x166: {  	v7 =	vld [tilespmem:$0x690]  }
0x167: {  	v8 =	vld [tilespmem:s25+$0xFFFFFFE0];
	_ =	sdelay $0x3  }
0x168: {  	s16 =	sand.u32 $0x7FC, s16  }
0x169: {  	v7 =	vadd.s32 v8, v7  }
0x16a: {  	[tilespmem:s16+$0x6F8] =	vst v7  }
0x16b: {  	v7 =	vld [tilespmem:s25+$0xFFFFFFF0]  }
0x16c: {  	v8 =	vld [tilespmem:$0x6A0];
	_ =	sdelay $0x4  }
0x16d: {  	v7 =	vadd.s32 v7, v8  }
0x16e: {  	[tilespmem:s16+$0x708] =	vst v7  }
0x16f: {  	v7 =	vld [tilespmem:s25+$0x0]  }
0x170: {  	v8 =	vld [tilespmem:$0x6B0];
	_ =	sdelay $0x4  }
0x171: {  	v7 =	vadd.s32 v7, v8  }
0x172: {  	[tilespmem:s16+$0x718] =	vst v7  }
0x173: {  	v7 =	vld [tilespmem:s25+$0x10]  }
0x174: {  	v8 =	vld [tilespmem:$0x6C0];
	_ =	sdelay $0x4  }
0x175: {  	v7 =	vadd.s32 v7, v8  }
0x176: {  	[tilespmem:s16+$0x728] =	vst v7  }
0x177: {  	v7 =	vld [tilespmem:s25+$0x20]  }
0x178: {  	v8 =	vld [tilespmem:$0x6D0];
	_ =	sdelay $0x2  }
.Ltmp7:
0x179: {  	(pc) =	sbr.rel @p1 .LBB2_12-.Ltmp7, $4  }
0x17a: {  	_ = 	snop  }
0x17b: {  	v7 =	vadd.s32 v7, v8  }
0x17c: {  	[tilespmem:s16+$0x738] =	vst v7  }
0x17d: {  	v7 =	vld [tilespmem:s25+$0x24]  }
0x17e: {  	v8 =	vld [tilespmem:$0x6D4];
	_ =	sdelay $0x4  }
0x17f: {  	v7 =	vadd.s32 v7, v8  }
0x180: {  	[tilespmem:s14+$0x54] =	vst v7  }
0x181: {  	_ =	swait.ge [sflag:s10], $0x6400  }
0x182: {  	[sflag:s10] =	ssyncset.done $0x0  }
0x183: {  	s25 =	simm.s32 $0x6E8;
	[sflag:s10] =	ssyncadd.s32 $0xFFFF9C00  }
0x184: {  	[tilespmem:s22], [sflag:$0x1] =	stream.indirect.gather [hbm4b:s9+s20], $0x10, s25, s20, $0xb8;
	[tilespmem:$0x1AFE8] =	vst v63  }
.LBB2_14:
.Ltmp8:
0x185: {  	s14 =	sadd.s32 s23, s3;
	(pc) =	sbr.rel @p0 .LBB2_18-.Ltmp8, $4  }
0x186: {  	_ =	swait.ge [sflag:s31], $0x6400;
	s14 =	sshll.u32 s14, $0x1  }
0x187: {  	[sflag:s31] =	ssyncset.done $0x0;
	s14 =	sand.u32 $0x1FFFFE80, s14  }
0x188: {  	[sflag:s31] =	ssyncadd.s32 $0xFFFF9C00;
	s14 =	sadd.s32 s4, s14  }
0x189: {  	[hbm4b:s14+s6] =	stream.linear.scatter [tilespmem:s24], [sflag:$0x6], $0x6400, $0x38;
	[tilespmem:$0x1AFE8] =	vst v63  }
0x18a: {  	s14 =	rddreg [dreg:$0x8]  }
0x18b: {  	s14 =	sadd.s32 s23, s14  }
0x18c: {  	s14 =	smulhi.u32 $0x51EB851F, s14;
	_ =	sdelay $0x1  }
0x18d: {  	s14 =	sshrl.u32 s14, $0x5  }
0x18e: {  	s14 =	smul.u32 $0xD, s14;
	_ =	sdelay $0x1  }
0x18f: {  	s15 =	simm.s32 $0x0;
	s14 =	sadd.s32 s8, s14  }
0x190: {  	[tilespmem:s15], [sflag:$0x9] =	stream.linear.gather [hbm4b:s14+s15], $0x680, $0x38;
	[tilespmem:$0x1AFE8] =	vst v63  }
0x191: {  	_ =	swait.ge [sflag:s19], $0x680  }
0x192: {  	[sflag:s19] =	ssyncset.done $0x0  }
0x193: {  	s25 =	simm.s32 $0x30;
	[sflag:s19] =	ssyncadd.s32 $0xFFFFF980  }
0x194: {  	v7 =	vld [tilespmem:s25+$0xFFFFFFD0]  }
0x195: {  	v8 =	vld [tilespmem:$0x680];
	_ =	sdelay $0x4  }
0x196: {  	s21 =	simm.s32 $0xD28;
	v7 =	vadd.s32 v7, v8  }
0x197: {  	[tilespmem:s21+$0x0] =	vst v7  }
0x198: {  	v7 =	vld [tilespmem:$0x690]  }
0x199: {  	v8 =	vld [tilespmem:s25+$0xFFFFFFE0];
	_ =	sdelay $0x4  }
0x19a: {  	s16 =	sand.u32 $0x7FC, s15;
	v7 =	vadd.s32 v8, v7  }
0x19b: {  	[tilespmem:s16+$0xD38] =	vst v7  }
0x19c: {  	v7 =	vld [tilespmem:s25+$0xFFFFFFF0]  }
0x19d: {  	v8 =	vld [tilespmem:$0x6A0];
	_ =	sdelay $0x4  }
0x19e: {  	v7 =	vadd.s32 v7, v8  }
0x19f: {  	[tilespmem:s16+$0xD48] =	vst v7  }
0x1a0: {  	v7 =	vld [tilespmem:s25+$0x0]  }
0x1a1: {  	v8 =	vld [tilespmem:$0x6B0];
	_ =	sdelay $0x4  }
0x1a2: {  	v7 =	vadd.s32 v7, v8  }
0x1a3: {  	[tilespmem:s16+$0xD58] =	vst v7  }
0x1a4: {  	v7 =	vld [tilespmem:s25+$0x10]  }
0x1a5: {  	v8 =	vld [tilespmem:$0x6C0];
	_ =	sdelay $0x4  }
0x1a6: {  	v7 =	vadd.s32 v7, v8  }
0x1a7: {  	[tilespmem:s16+$0xD68] =	vst v7  }
0x1a8: {  	v7 =	vld [tilespmem:s25+$0x20]  }
0x1a9: {  	v8 =	vld [tilespmem:$0x6D0];
	_ =	sdelay $0x4  }
0x1aa: {  	v7 =	vadd.s32 v7, v8  }
0x1ab: {  	[tilespmem:s16+$0xD78] =	vst v7  }
0x1ac: {  	s15 =	simm.s32 $0x64;
	s14 =	simm.s32 $0xD28;
	v7 =	vld [tilespmem:s25+$0x24]  }
.LBB2_16:
0x1ad: {  	p1 =	sne.s32 s15, $0x5DC;
	v8 =	vld [tilespmem:$0x6D4];
	s25 =	sadd.s32 $0x68, s25;
	s21 =	sadd.s32 $0x64, s21  }
0x1ae: {  	s16 =	smov.u32 s15;
	s15 =	sadd.s32 $0x64, s15;
	_ =	sdelay $0x3  }
0x1af: {  	v7 =	vadd.s32 v7, v8  }
0x1b0: {  	[tilespmem:s14+$0x54] =	vst v7;
	s14 =	smov.u32 s21  }
0x1b1: {  	v7 =	vld [tilespmem:s25+$0xFFFFFFD0]  }
0x1b2: {  	v8 =	vld [tilespmem:$0x680];
	_ =	sdelay $0x4  }
0x1b3: {  	v7 =	vadd.s32 v7, v8  }
0x1b4: {  	[tilespmem:s21+$0x0] =	vst v7  }
0x1b5: {  	v7 =	vld [tilespmem:$0x690]  }
0x1b6: {  	v8 =	vld [tilespmem:s25+$0xFFFFFFE0];
	_ =	sdelay $0x3  }
0x1b7: {  	s16 =	sand.u32 $0x7FC, s16  }
0x1b8: {  	v7 =	vadd.s32 v8, v7  }
0x1b9: {  	[tilespmem:s16+$0xD38] =	vst v7  }
0x1ba: {  	v7 =	vld [tilespmem:s25+$0xFFFFFFF0]  }
0x1bb: {  	v8 =	vld [tilespmem:$0x6A0];
	_ =	sdelay $0x4  }
0x1bc: {  	v7 =	vadd.s32 v7, v8  }
0x1bd: {  	[tilespmem:s16+$0xD48] =	vst v7  }
0x1be: {  	v7 =	vld [tilespmem:s25+$0x0]  }
0x1bf: {  	v8 =	vld [tilespmem:$0x6B0];
	_ =	sdelay $0x4  }
0x1c0: {  	v7 =	vadd.s32 v7, v8  }
0x1c1: {  	[tilespmem:s16+$0xD58] =	vst v7  }
0x1c2: {  	v7 =	vld [tilespmem:s25+$0x10]  }
0x1c3: {  	v8 =	vld [tilespmem:$0x6C0];
	_ =	sdelay $0x4  }
0x1c4: {  	v7 =	vadd.s32 v7, v8  }
0x1c5: {  	[tilespmem:s16+$0xD68] =	vst v7  }
0x1c6: {  	v7 =	vld [tilespmem:s25+$0x20]  }
0x1c7: {  	v8 =	vld [tilespmem:$0x6D0];
	_ =	sdelay $0x2  }
.Ltmp9:
0x1c8: {  	(pc) =	sbr.rel @p1 .LBB2_16-.Ltmp9, $4  }
0x1c9: {  	_ = 	snop  }
0x1ca: {  	v7 =	vadd.s32 v7, v8  }
0x1cb: {  	[tilespmem:s16+$0xD78] =	vst v7  }
0x1cc: {  	v7 =	vld [tilespmem:s25+$0x24]  }
0x1cd: {  	v8 =	vld [tilespmem:$0x6D4];
	_ =	sdelay $0x4  }
0x1ce: {  	v7 =	vadd.s32 v7, v8  }
0x1cf: {  	[tilespmem:s14+$0x54] =	vst v7  }
0x1d0: {  	_ =	swait.ge [sflag:s11], $0x6400  }
0x1d1: {  	[sflag:s11] =	ssyncset.done $0x0  }
0x1d2: {  	s25 =	simm.s32 $0xD28;
	[sflag:s11] =	ssyncadd.s32 $0xFFFF9C00  }
0x1d3: {  	[tilespmem:s24], [sflag:$0x2] =	stream.indirect.gather [hbm4b:s9+s20], $0x10, s25, s20, $0xb8;
	[tilespmem:$0x1AFE8] =	vst v63  }
.LBB2_18:
.Ltmp10:
0x1d4: {  	s14 =	sadd.s32 s23, s5;
	(pc) =	sbr.rel @p0 .LBB2_22-.Ltmp10, $4  }
0x1d5: {  	_ =	swait.ge [sflag:s1], $0x6400;
	s14 =	sshll.u32 s14, $0x1  }
0x1d6: {  	[sflag:s1] =	ssyncset.done $0x0;
	s14 =	sand.u32 $0x1FFFFF00, s14  }
0x1d7: {  	[sflag:s1] =	ssyncadd.s32 $0xFFFF9C00;
	s14 =	sadd.s32 s4, s14  }
0x1d8: {  	[hbm4b:s14+s6] =	stream.linear.scatter [tilespmem:s26], [sflag:$0x7], $0x6400, $0x38;
	[tilespmem:$0x1AFE8] =	vst v63  }
0x1d9: {  	s14 =	rddreg [dreg:$0x9]  }
0x1da: {  	s14 =	sadd.s32 s23, s14  }
0x1db: {  	s14 =	smulhi.u32 $0x51EB851F, s14;
	_ =	sdelay $0x1  }
0x1dc: {  	s14 =	sshrl.u32 s14, $0x5  }
0x1dd: {  	s14 =	smul.u32 $0xD, s14;
	_ =	sdelay $0x1  }
0x1de: {  	s15 =	simm.s32 $0x0;
	s14 =	sadd.s32 s8, s14  }
0x1df: {  	[tilespmem:s15], [sflag:$0x9] =	stream.linear.gather [hbm4b:s14+s15], $0x680, $0x38;
	[tilespmem:$0x1AFE8] =	vst v63  }
0x1e0: {  	_ =	swait.ge [sflag:s19], $0x680  }
0x1e1: {  	[sflag:s19] =	ssyncset.done $0x0  }
0x1e2: {  	s25 =	simm.s32 $0x30;
	[sflag:s19] =	ssyncadd.s32 $0xFFFFF980  }
0x1e3: {  	v7 =	vld [tilespmem:s25+$0xFFFFFFD0]  }
0x1e4: {  	v8 =	vld [tilespmem:$0x680];
	_ =	sdelay $0x4  }
0x1e5: {  	s21 =	simm.s32 $0x1368;
	v7 =	vadd.s32 v7, v8  }
0x1e6: {  	[tilespmem:s21+$0x0] =	vst v7  }
0x1e7: {  	v7 =	vld [tilespmem:$0x690]  }
0x1e8: {  	v8 =	vld [tilespmem:s25+$0xFFFFFFE0];
	_ =	sdelay $0x4  }
0x1e9: {  	s16 =	sand.u32 $0x7FC, s15;
	v7 =	vadd.s32 v8, v7  }
0x1ea: {  	[tilespmem:s16+$0x1378] =	vst v7  }
0x1eb: {  	v7 =	vld [tilespmem:s25+$0xFFFFFFF0]  }
0x1ec: {  	v8 =	vld [tilespmem:$0x6A0];
	_ =	sdelay $0x4  }
0x1ed: {  	v7 =	vadd.s32 v7, v8  }
0x1ee: {  	[tilespmem:s16+$0x1388] =	vst v7  }
0x1ef: {  	v7 =	vld [tilespmem:s25+$0x0]  }
0x1f0: {  	v8 =	vld [tilespmem:$0x6B0];
	_ =	sdelay $0x4  }
0x1f1: {  	v7 =	vadd.s32 v7, v8  }
0x1f2: {  	[tilespmem:s16+$0x1398] =	vst v7  }
0x1f3: {  	v7 =	vld [tilespmem:s25+$0x10]  }
0x1f4: {  	v8 =	vld [tilespmem:$0x6C0];
	_ =	sdelay $0x4  }
0x1f5: {  	v7 =	vadd.s32 v7, v8  }
0x1f6: {  	[tilespmem:s16+$0x13A8] =	vst v7  }
0x1f7: {  	v7 =	vld [tilespmem:s25+$0x20]  }
0x1f8: {  	v8 =	vld [tilespmem:$0x6D0];
	_ =	sdelay $0x4  }
0x1f9: {  	v7 =	vadd.s32 v7, v8  }
0x1fa: {  	[tilespmem:s16+$0x13B8] =	vst v7  }
0x1fb: {  	s15 =	simm.s32 $0x64;
	s14 =	simm.s32 $0x1368;
	v7 =	vld [tilespmem:s25+$0x24]  }
.LBB2_20:
0x1fc: {  	p1 =	sne.s32 s15, $0x5DC;
	v8 =	vld [tilespmem:$0x6D4];
	s25 =	sadd.s32 $0x68, s25;
	s21 =	sadd.s32 $0x64, s21  }
0x1fd: {  	s16 =	smov.u32 s15;
	s15 =	sadd.s32 $0x64, s15;
	_ =	sdelay $0x3  }
0x1fe: {  	v7 =	vadd.s32 v7, v8  }
0x1ff: {  	[tilespmem:s14+$0x54] =	vst v7;
	s14 =	smov.u32 s21  }
0x200: {  	v7 =	vld [tilespmem:s25+$0xFFFFFFD0]  }
0x201: {  	v8 =	vld [tilespmem:$0x680];
	_ =	sdelay $0x4  }
0x202: {  	v7 =	vadd.s32 v7, v8  }
0x203: {  	[tilespmem:s21+$0x0] =	vst v7  }
0x204: {  	v7 =	vld [tilespmem:$0x690]  }
0x205: {  	v8 =	vld [tilespmem:s25+$0xFFFFFFE0];
	_ =	sdelay $0x3  }
0x206: {  	s16 =	sand.u32 $0x7FC, s16  }
0x207: {  	v7 =	vadd.s32 v8, v7  }
0x208: {  	[tilespmem:s16+$0x1378] =	vst v7  }
0x209: {  	v7 =	vld [tilespmem:s25+$0xFFFFFFF0]  }
0x20a: {  	v8 =	vld [tilespmem:$0x6A0];
	_ =	sdelay $0x4  }
0x20b: {  	v7 =	vadd.s32 v7, v8  }
0x20c: {  	[tilespmem:s16+$0x1388] =	vst v7  }
0x20d: {  	v7 =	vld [tilespmem:s25+$0x0]  }
0x20e: {  	v8 =	vld [tilespmem:$0x6B0];
	_ =	sdelay $0x4  }
0x20f: {  	v7 =	vadd.s32 v7, v8  }
0x210: {  	[tilespmem:s16+$0x1398] =	vst v7  }
0x211: {  	v7 =	vld [tilespmem:s25+$0x10]  }
0x212: {  	v8 =	vld [tilespmem:$0x6C0];
	_ =	sdelay $0x4  }
0x213: {  	v7 =	vadd.s32 v7, v8  }
0x214: {  	[tilespmem:s16+$0x13A8] =	vst v7  }
0x215: {  	v7 =	vld [tilespmem:s25+$0x20]  }
0x216: {  	v8 =	vld [tilespmem:$0x6D0];
	_ =	sdelay $0x2  }
.Ltmp11:
0x217: {  	(pc) =	sbr.rel @p1 .LBB2_20-.Ltmp11, $4  }
0x218: {  	_ = 	snop  }
0x219: {  	v7 =	vadd.s32 v7, v8  }
0x21a: {  	[tilespmem:s16+$0x13B8] =	vst v7  }
0x21b: {  	v7 =	vld [tilespmem:s25+$0x24]  }
0x21c: {  	v8 =	vld [tilespmem:$0x6D4];
	_ =	sdelay $0x4  }
0x21d: {  	v7 =	vadd.s32 v7, v8  }
0x21e: {  	[tilespmem:s14+$0x54] =	vst v7  }
0x21f: {  	_ =	swait.ge [sflag:s12], $0x6400  }
0x220: {  	[sflag:s12] =	ssyncset.done $0x0  }
0x221: {  	s25 =	simm.s32 $0x1368;
	[sflag:s12] =	ssyncadd.s32 $0xFFFF9C00  }
0x222: {  	[tilespmem:s26], [sflag:$0x3] =	stream.indirect.gather [hbm4b:s9+s20], $0x10, s25, s20, $0xb8;
	[tilespmem:$0x1AFE8] =	vst v63  }
.LBB2_22:
.Ltmp12:
0x223: {  	s14 =	sadd.s32 s23, s7;
	(pc) =	sbr.rel @p0 .LBB2_26-.Ltmp12, $4  }
0x224: {  	_ =	swait.ge [sflag:s0], $0x6400;
	s14 =	sshll.u32 s14, $0x1  }
0x225: {  	[sflag:s0] =	ssyncset.done $0x0;
	s14 =	sand.u32 $0x1FFFFF80, s14  }
0x226: {  	[sflag:s0] =	ssyncadd.s32 $0xFFFF9C00;
	s14 =	sadd.s32 s4, s14  }
0x227: {  	[hbm4b:s14+s6] =	stream.linear.scatter [tilespmem:s29], [sflag:$0x8], $0x6400, $0x38;
	[tilespmem:$0x1AFE8] =	vst v63  }
0x228: {  	s14 =	sadd.s32 s23, s17  }
0x229: {  	s14 =	smulhi.u32 $0x51EB851F, s14;
	_ =	sdelay $0x1  }
0x22a: {  	s14 =	sshrl.u32 s14, $0x5  }
0x22b: {  	s14 =	smul.u32 $0xD, s14;
	_ =	sdelay $0x1  }
0x22c: {  	s15 =	simm.s32 $0x0;
	s14 =	sadd.s32 s8, s14  }
0x22d: {  	[tilespmem:s15], [sflag:$0x9] =	stream.linear.gather [hbm4b:s14+s15], $0x680, $0x38;
	[tilespmem:$0x1AFE8] =	vst v63  }
0x22e: {  	_ =	swait.ge [sflag:s19], $0x680  }
0x22f: {  	[sflag:s19] =	ssyncset.done $0x0  }
0x230: {  	s23 =	simm.s32 $0x30;
	[sflag:s19] =	ssyncadd.s32 $0xFFFFF980  }
0x231: {  	v7 =	vld [tilespmem:s23+$0xFFFFFFD0]  }
0x232: {  	v8 =	vld [tilespmem:$0x680];
	_ =	sdelay $0x4  }
0x233: {  	s21 =	simm.s32 $0x19A8;
	v7 =	vadd.s32 v7, v8  }
0x234: {  	[tilespmem:s21+$0x0] =	vst v7  }
0x235: {  	v7 =	vld [tilespmem:$0x690]  }
0x236: {  	v8 =	vld [tilespmem:s23+$0xFFFFFFE0];
	_ =	sdelay $0x4  }
0x237: {  	s25 =	sand.u32 $0x7FC, s15;
	v7 =	vadd.s32 v8, v7  }
0x238: {  	[tilespmem:s25+$0x19B8] =	vst v7  }
0x239: {  	v7 =	vld [tilespmem:s23+$0xFFFFFFF0]  }
0x23a: {  	v8 =	vld [tilespmem:$0x6A0];
	_ =	sdelay $0x4  }
0x23b: {  	v7 =	vadd.s32 v7, v8  }
0x23c: {  	[tilespmem:s25+$0x19C8] =	vst v7  }
0x23d: {  	v7 =	vld [tilespmem:s23+$0x0]  }
0x23e: {  	v8 =	vld [tilespmem:$0x6B0];
	_ =	sdelay $0x4  }
0x23f: {  	v7 =	vadd.s32 v7, v8  }
0x240: {  	[tilespmem:s25+$0x19D8] =	vst v7  }
0x241: {  	v7 =	vld [tilespmem:s23+$0x10]  }
0x242: {  	v8 =	vld [tilespmem:$0x6C0];
	_ =	sdelay $0x4  }
0x243: {  	v7 =	vadd.s32 v7, v8  }
0x244: {  	[tilespmem:s25+$0x19E8] =	vst v7  }
0x245: {  	v7 =	vld [tilespmem:s23+$0x20]  }
0x246: {  	v8 =	vld [tilespmem:$0x6D0];
	_ =	sdelay $0x4  }
0x247: {  	v7 =	vadd.s32 v7, v8  }
0x248: {  	[tilespmem:s25+$0x19F8] =	vst v7  }
0x249: {  	s15 =	simm.s32 $0x64;
	s14 =	simm.s32 $0x19A8;
	v7 =	vld [tilespmem:s23+$0x24]  }
.LBB2_24:
0x24a: {  	p0 =	sne.s32 s15, $0x5DC;
	v8 =	vld [tilespmem:$0x6D4];
	s23 =	sadd.s32 $0x68, s23;
	s21 =	sadd.s32 $0x64, s21  }
0x24b: {  	s16 =	smov.u32 s15;
	s15 =	sadd.s32 $0x64, s15;
	_ =	sdelay $0x3  }
0x24c: {  	v7 =	vadd.s32 v7, v8  }
0x24d: {  	[tilespmem:s14+$0x54] =	vst v7;
	s14 =	smov.u32 s21  }
0x24e: {  	v7 =	vld [tilespmem:s23+$0xFFFFFFD0]  }
0x24f: {  	v8 =	vld [tilespmem:$0x680];
	_ =	sdelay $0x4  }
0x250: {  	v7 =	vadd.s32 v7, v8  }
0x251: {  	[tilespmem:s21+$0x0] =	vst v7  }
0x252: {  	v7 =	vld [tilespmem:$0x690]  }
0x253: {  	v8 =	vld [tilespmem:s23+$0xFFFFFFE0];
	_ =	sdelay $0x3  }
0x254: {  	s16 =	sand.u32 $0x7FC, s16  }
0x255: {  	v7 =	vadd.s32 v8, v7  }
0x256: {  	[tilespmem:s16+$0x19B8] =	vst v7  }
0x257: {  	v7 =	vld [tilespmem:s23+$0xFFFFFFF0]  }
0x258: {  	v8 =	vld [tilespmem:$0x6A0];
	_ =	sdelay $0x4  }
0x259: {  	v7 =	vadd.s32 v7, v8  }
0x25a: {  	[tilespmem:s16+$0x19C8] =	vst v7  }
0x25b: {  	v7 =	vld [tilespmem:s23+$0x0]  }
0x25c: {  	v8 =	vld [tilespmem:$0x6B0];
	_ =	sdelay $0x4  }
0x25d: {  	v7 =	vadd.s32 v7, v8  }
0x25e: {  	[tilespmem:s16+$0x19D8] =	vst v7  }
0x25f: {  	v7 =	vld [tilespmem:s23+$0x10]  }
0x260: {  	v8 =	vld [tilespmem:$0x6C0];
	_ =	sdelay $0x4  }
0x261: {  	v7 =	vadd.s32 v7, v8  }
0x262: {  	[tilespmem:s16+$0x19E8] =	vst v7  }
0x263: {  	v7 =	vld [tilespmem:s23+$0x20]  }
0x264: {  	v8 =	vld [tilespmem:$0x6D0];
	_ =	sdelay $0x2  }
.Ltmp13:
0x265: {  	(pc) =	sbr.rel @p0 .LBB2_24-.Ltmp13, $4  }
0x266: {  	_ = 	snop  }
0x267: {  	v7 =	vadd.s32 v7, v8  }
0x268: {  	[tilespmem:s16+$0x19F8] =	vst v7  }
0x269: {  	v7 =	vld [tilespmem:s23+$0x24]  }
0x26a: {  	v8 =	vld [tilespmem:$0x6D4];
	_ =	sdelay $0x4  }
0x26b: {  	v7 =	vadd.s32 v7, v8  }
.Ltmp14:
0x26c: {  	[tilespmem:s14+$0x54] =	vst v7;
	(pc) =	sbr.rel .LBB2_10-.Ltmp14, $4  }
0x26d: {  	_ =	swait.ge [sflag:s13], $0x6400  }
0x26e: {  	[sflag:s13] =	ssyncset.done $0x0  }
0x26f: {  	s18 =	sadd.s32 $0x1, s18;
	[sflag:s13] =	ssyncadd.s32 $0xFFFF9C00  }
0x270: {  	[tilespmem:s29], [sflag:$0x4] =	stream.indirect.gather [hbm4b:s9+s20], $0x10, s28, s20, $0xb8;
	[tilespmem:$0x1AFE8] =	vst v63  }
.LBB2_27:
0x271: {  	_ =	sfence.sel $0x180000  }
0x272: {  	[bflag:$0x0] =	sbarrier.arrive $0xFFFF  }
0x273: {  	_ =	strace $0x90000047  }
0x274: {  	s0 =	stileid.u32;
	[bflag:$0x2] =	sbarrier.arrive $0xFFFF  }
0x275: {  	p0 =	sne.s32 s0, $0x0;
	s0 =	rddreg [dreg:$0x2]  }
0x276: {  	s0 =	sadd.s32 @!p0 $0x100000, s0  }
0x277: {  	[sflag:s0] =	ssyncadd.tile.s32 @!p0 $0x1;
	_ =	shalt  }
.Lfunc_end2:
_tile_overlayer_lowered:
.L_overlay_start_2:
0x278: {  	(tag) =	ssettag $0x2  }
0x279: {  	s0 =	rddreg [dreg:$0x0];
	s2 =	stileid.u32  }
0x27a: {  	s1 =	rddreg [dreg:$0x1];
	p0 =	sne.s32 s2, $0x0  }
0x27b: {  	s3 =	rddreg [dreg:$0x2];
	[bflag:$0x3] =	sbarrier.arrive $0xFFFF;
	s2 =	simm.s32 @!p0 $0x1C09  }
0x27c: {  	[timem:s3], [sflag:s2] =	dma.local @!p0 [hbm:s0], s1  }
0x27d: {  	s0 =	simm.s32 @!p0 $0x9  }
0x27e: {  	_ =	swait.ge @!p0 [sflag:s0], s1  }
0x27f: {  	s1 =	ssub.s32 @!p0 $0x0, s1;
	[sflag:s0] =	ssyncset.done @!p0 $0x0  }
0x280: {  	[sflag:s0] =	ssyncadd.s32 @!p0 s1  }
0x281: {  	[bflag:$0x3] =	sbarrier.arrive $0xFFFF  }
0x282: {  	_ =	shalt  }

// kernel: sparse-core-data-format-call.cloned.1.call-start
scs
called_computation_lowered:
.L_overlay_start_0:
0x0: {  	s2 =	sld [smem:$0x3FD9]  }
0x1: {  	s3 =	sld [smem:$0x3FFE];
	_ =	sdelay $0x1  }
0x2: {  	s1 =	srdreg.scid  }
0x3: {  	s0 =	sand.u32 $0x1, s1  }
0x4: {  	s18 =	sshll.u32 s0, $0xA;
	s2 =	sadd.s32 s3, s2  }
0x5: {  	s2 =	sadd.s32 s2, s18  }
0x6: {  	[smem:$0x3FC6] =	sst s2  }
0x7: {  	_ = 	snop  }
0x8: {  	s2 =	sld [smem:$0x3FD0];
	(tm) =	ssettm $0x1  }
0x9: {  	s19 =	sld [smem:$0x3FFB];
	_ =	sdelay $0x3  }
0xa: {  	_ =	strace s19  }
0xb: {  	s3 =	sld [smem:$0x3FFC];
	_ =	sdelay $0x3  }
0xc: {  	_ =	strace s3  }
0xd: {  	s3 =	sld [smem:$0x3FFD];
	_ =	sdelay $0x3  }
0xe: {  	_ =	strace s3  }
0xf: {  	_ =	strace $0x8FFFFFFF  }
0x10: {  	s20 =	sld [smem:$0x3FDB];
	_ =	sdelay $0x1  }
0x11: {  	s4 =	simm.s32 $_scs_section_size  }
0x12: {  	s5 =	simm.s32 $_size__tile_overlayer_lowered;
	s6 =	simm.s32 $_tile_overlayer_lowered  }
0x13: {  	s23 =	simm.s32 $0x1BFF;
	s22 =	sshll.u32 s6, $0x1;
	s3 =	sadd.s32 s4, s20  }
0x14: {  	s7 =	simm.s32 $0x0;
	s21 =	sshll.u32 s5, $0x1;
	s5 =	sadd.s32 s22, s3  }
0x15: {  	[timem:s7], [sflag:s23] =	dma.local [hbm:s5], s21  }
0x16: {  	_ =	swait.ge [sflag:s23], s21  }
0x17: {  	s4 =	ssub.s32 $0x0, s21;
	[sflag:s23] =	ssyncset.done $0x0  }
0x18: {  	[sflag:s23] =	ssyncadd.s32 s4;
	_ =	sdelay $0x1  }
0x19: {  	s24 =	simm.s32 $0x1B8B  }
0x1a: {  	_ =	swait.ge [sflag:s24], $0x1  }
0x1b: {  	[sflag:s24] =	ssyncset.done $0x0  }
0x1c: {  	s26 =	simm.s32 $0x1B8E;
	s25 =	sld [smem:$0x3FFE];
	[sflag:s24] =	ssyncadd.s32 $0xFFFFFFFF  }
0x1d: {  	s27 =	simm.s32 $execute0_lowered;
	[smem:$0x3FD2] =	sst s26  }
0x1e: {  	s5 =	sshll.u32 s27, $0x1;
	_ =	strace $0x80000049;
	[dreg:$0x1] =	wrdreg $0xFFFFFFFF  }
0x1f: {  	s28 =	simm.s32 $_size_execute0_lowered;
	s3 =	sadd.s32 s3, s5;
	[dreg:$0x0] =	wrdreg $0x0  }
0x20: {  	s5 =	sshll.u32 s28, $0x1;
	[dreg:$0x2] =	wrdreg s3  }
0x21: {  	[dreg:$0x3] =	wrdreg s5  }
0x22: {  	[dreg:$0x4] =	wrdreg $0xC0  }
0x23: {  	_ =	task [dreg:s7], $0x5FFFF  }
0x24: {  	[dreg:$0x1] =	wrdreg $0xFFFFFFFF  }
0x25: {  	[dreg:$0x0] =	wrdreg $0x60  }
0x26: {  	[dreg:$0x2] =	wrdreg s25  }
0x27: {  	[dreg:$0x3] =	wrdreg s2  }
0x28: {  	[dreg:$0x4] =	wrdreg $0x9  }
0x29: {  	_ =	task.clear_ibuf [dreg:s7], $0x5FFFF;
	_ =	strace $0x90000049  }
0x2a: {  	s29 =	simm.s32 $0x9;
	_ =	strace $0x8000004B  }
0x2b: {  	_ =	swait.ge [sflag:s29], $0x1  }
0x2c: {  	[sflag:s29] =	ssyncadd.s32 $0xFFFFFFFF  }
0x2d: {  	_ =	strace $0x9000004B  }
0x2e: {  	_ =	sfence  }
0x2f: {  	s30 =	sld [smem:$0x0];
	_ =	sdelay $0x2  }
0x30: {  	s31 =	sshll.u32 s1, $0xD;
	s1 =	sshrl.u32 s1, $0x2  }
0x31: {  	s3 =	sand.u32 $0x4000, s31;
	s1 =	sadd.s32 s1, s30  }
0x32: {  	s0 =	sor.u32 s3, s0;
	s1 =	sshll.u32 s1, $0x11  }
0x33: {  	s0 =	sor.u32 s1, s0  }
0x34: {  	s0 =	sadd.s32 $0x8F2B, s0  }
0x35: {  	[sflag:s0] =	ssyncadd.remote.s32 $0x1  }
0x36: {  	_ =	sfence.sel $0xFFFF  }
0x37: {  	[dreg:$0x0] =	wrdreg $0xFFFFFFFF;
	(pc) =	sbr.abs _section_cstart, $3  }
0x38: {  	[dreg:$0x1] =	wrdreg $0xFFFFFFFF  }
0x39: {  	_ =	task.clear_ibuf [dreg:s7], $0x2FFFF;
	_ =	strace $0x9FFFFFFF  }
0x3a: {  	(tm) =	ssettm $0x7FFFFFFF  }
0x3b: {  	_ =	shalt  }
tec
execute0_lowered:
.L_overlay_start_1:
0x0: {  	(tag) =	ssettag $0x1  }
0x1: {  	s0 =	srdreg.scid  }
0x2: {  	s1 =	sshll.u32 s0, $0x4  }
0x3: {  	s6 =	rddreg [dreg:$0x0];
	s0 =	stileid.u32;
	s1 =	sand.u32 $0x10, s1  }
0x4: {  	s3 =	rddreg [dreg:$0x1];
	s1 =	sor.u32 s0, s1  }
0x5: {  	s5 =	simm.s32 $0x1;
	s31 =	simm.s32 $0x2;
	s2 =	sshll.u32 s1, $0x7  }
0x6: {  	s15 =	simm.s32 $0x0;
	s8 =	simm.s32 $0x20000;
	s4 =	ssub.s32 $0x4000, s2  }
0x7: {  	s14 =	simm.s32 $0x0;
	s9 =	simm.s32 $0x0;
	s30 =	sand.u32 $0xF80, s4  }
0x8: {  	s10 =	simm.s32 $0x0;
	s11 =	simm.s32 $0x0;
	p0 =	sne.s32 s30, $0x0  }
.Ltmp0:
0x9: {  	s7 =	sshrl.u32 s4, $0xC;
	s5 =	simm.s32 @!p0 $0x0;
	(pc) =	sbr.rel .LBB1_1-.Ltmp0, $4  }
0xa: {  	s13 =	simm.s32 $0x0;
	s1 =	rddreg [dreg:$0x2];
	s5 =	sadd.s32 s5, s7  }
0xb: {  	_ =	strace $0x8000004A;
	s4 =	simm.s32 $0x1;
	s5 =	smul.u32 $0xD, s5  }
0xc: {  	s6 =	sadd.s32 $0x1000, s6;
	s12 =	smov.u32 s2;
	[sflag:s4] =	ssyncpa.u1 $0x0  }
0xd: {  	[sflag:s31] =	ssyncpa.u1 $0x0;
	p0 =	por $0x0, $0x0;
	s7 =	sadd.s32 $0x1, s5  }
.LBB1_4:
0xe: {  	s20 =	sshra.s32 s20, $0x2  }
0xf: {  	s28 =	sand.u32 $0x78, s10;
	s21 =	sshll.u32 s9, $0xE;
	s22 =	sshll.u32 s10, $0x3  }
0x10: {  	s24 =	sshll.u32 s9, $0x7;
	p1 =	sgt.s32 s9, $0x5C0;
	s30 =	sshra.s32 s9, $0x1F  }
0x11: {  	s26 =	sshra.s32 s10, $0x1F;
	s19 =	sadd.s32 s20, s19;
	s21 =	sand.u32 $0xFFFE0000, s21  }
0x12: {  	v5 =	vld [tilespmem:s17+$0xFFFFFFD0];
	[tilespmem:s18+$0x2040 ss:$0x81] =	vst.msk $0xffff, v4;
	s23 =	sand.u32 $0xFFFFFC00, s22;
	s29 =	sand.u32 $0x380, s24;
	s22 =	sand.u32 $0x3C00, s22  }
0x13: {  	v58 =	vld [tilespmem:s17+$0xFFFFFFE0];
	[tilespmem:s18+$0x2850 ss:$0x81] =	vst.msk $0xffff, v3;
	s21 =	sadd.s32 s23, s21;
	s20 =	sor.u32 s28, s22;
	s22 =	smov.u32 s9  }
0x14: {  	v59 =	vld [tilespmem:s17+$0xFFFFFFF0];
	[tilespmem:s18+$0x3060 ss:$0x81] =	vst.msk $0xffff, v2;
	s24 =	sand.u32 s30, s9;
	s21 =	sshrl.u32 s21, $0xE;
	s22 =	simm.s32 @!p1 $0x5C0  }
0x15: {  	v60 =	vld [tilespmem:s17+$0x0];
	[tilespmem:s18+$0x0 ss:$0x81] =	vst.msk $0xffff, v1;
	p1 =	sgt.s32 s10, $0x3F80;
	s31 =	ssub.s32 s22, s24;
	s22 =	smov.u32 s10  }
0x16: {  	v61 =	vld [tilespmem:s17+$0x10];
	[tilespmem:s19+$0x3870 ss:$0x81] =	vst.msk $0xffff, v0;
	s25 =	smulhi.u32 $0x28F5C3, s21;
	s24 =	sand.u32 s26, s10;
	s22 =	simm.s32 @!p1 $0x3F80  }
0x17: {  	v62 =	vld [tilespmem:s17+$0x20];
	s20 =	sor.u32 s29, s20;
	[tilespmem:s19+$0x810 ss:$0x81] =	vst.msk $0xffff, v5;
	s27 =	sadd.s32 $0xFFFFFA40, s31;
	s22 =	ssub.s32 s22, s24  }
0x18: {  	v63 =	vld [tilespmem:s17+$0xFFFFFFC0];
	[tilespmem:s19+$0x1020 ss:$0x81] =	vst.msk $0xffff, v58;
	s18 =	ssub.s32 $0x640, s31;
	s28 =	smul.u32 $0x640, s25;
	s29 =	sadd.s32 $0xFFFFC080, s22  }
0x19: {  	[tilespmem:s19+$0x1830 ss:$0x81] =	vst.msk $0xffff, v59;
	p1 =	sgt.s32 s27, $0x7F;
	s22 =	ssub.s32 $0x4000, s22;
	p2 =	sgt.s32 s29, $0x7F  }
0x1a: {  	s30 =	sand.u32 $0x7, s10;
	[tilespmem:s19+$0x2040 ss:$0x81] =	vst.msk $0xffff, v60;
	s18 =	simm.s32 @p1 $0x0;
	s22 =	simm.s32 @p2 $0x0  }
0x1b: {  	s20 =	sshrl.u32 s20, $0x3;
	[tilespmem:s19+$0x2850 ss:$0x81] =	vst.msk $0xffff, v61;
	s17 =	ssub.s32 s21, s28;
	s18 =	smul.u32 s22, s18  }
0x1c: {  	[tilespmem:s19+$0x3060 ss:$0x81] =	vst.msk $0xffff, v62;
	s20 =	sadd.s32 s3, s20;
	s21 =	sshll.u32 s30, $0x12;
	s17 =	sshll.u32 s17, $0xB  }
0x1d: {  	[tilespmem:s19+$0x0 ss:$0x81] =	vst.msk $0xffff, v63;
	s31 =	sor.u32 $0x400, s21;
	s17 =	sadd.s32 s17, s20;
	s18 =	sand.u32 $0x3FFFFFFF, s18  }
0x1e: {  	[hbm4b:s17+s31] =	stream.strided.scatter [tilespmem:s16], [sflag:$0x2], s18, s8, s31, $0x20;
	[tilespmem:$0x10100] =	vst v63  }
.LBB1_5:
0x1f: {  	p1 =	slt.u32 s13, $0x2  }
0x20: {  	s17 =	smov.u32 s15;
	p2 =	sgt.s32 @!p1 s15, $0x5C0;
	s16 =	sshra.s32 @!p1 s15, $0x1F  }
0x21: {  	p3 =	sgt.s32 @!p1 s14, $0x3F80;
	s18 =	sshra.s32 @!p1 s14, $0x1F;
	p2 =	por !p2, p1  }
0x22: {  	s15 =	sand.u32 @!p1 s16, s15;
	p3 =	por !p3, p1;
	s16 =	smov.u32 s14  }
0x23: {  	s14 =	sand.u32 @!p1 s18, s14;
	s17 =	simm.s32 @p2 $0x5C0;
	s16 =	simm.s32 @p3 $0x3F80  }
0x24: {  	s15 =	ssub.s32 @!p1 s17, s15;
	s14 =	ssub.s32 @!p1 s16, s14  }
0x25: {  	s18 =	smov.u32 s12;
	s16 =	sadd.s32 @!p1 $0xFFFFFA40, s15;
	s17 =	sadd.s32 @!p1 $0xFFFFC080, s14  }
0x26: {  	s15 =	ssub.s32 @!p1 $0x640, s15;
	p2 =	sgt.s32 @!p1 s16, $0x7F;
	p3 =	sgt.s32 @!p1 s17, $0x7F  }
0x27: {  	s14 =	ssub.s32 @!p1 $0x4000, s14;
	p2 =	por !p2, p1;
	p3 =	por !p3, p1  }
0x28: {  	s16 =	sadd.s32 $0x80, s11;
	s15 =	simm.s32 @!p2 $0x0;
	s14 =	simm.s32 @!p3 $0x0  }
0x29: {  	p2 =	sgt.s32 s16, $0x63F;
	s14 =	smul.u32 @!p1 s14, s15;
	s15 =	sadd.s32 $0x1000, s12  }
0x2a: {  	s18 =	smov.u32 @p2 s15  }
0x2b: {  	s16 =	simm.s32 @p2 $0x0;
	p2 =	sgt.s32 s18, $0x3FFF  }
0x2c: {  	s18 =	smov.u32 @p2 s2;
	p2 =	sne.s32 s13, s7  }
.Ltmp1:
0x2d: {  	p0 =	por !p0, !p0;
	s17 =	simm.s32 @!p1 $0x2;
	(pc) =	sbr.rel @!p2 .LBB1_6-.Ltmp1, $4  }
0x2e: {  	s15 =	smov.u32 s9;
	s9 =	smov.u32 s11;
	s14 =	sand.u32 @!p1 $0x3FFFFFFF, s14  }
0x2f: {  	s11 =	smov.u32 s16;
	_ =	swait.ge @!p1 [sflag:s17], s14;
	s19 =	ssub.s32 @!p1 $0x0, s14  }
0x30: {  	s14 =	smov.u32 s10;
	s13 =	sadd.s32 $0x1, s13;
	[sflag:s17] =	ssyncset.done @!p1 $0x0  }
0x31: {  	s10 =	smov.u32 s12;
	s12 =	smov.u32 s18;
	[sflag:s17] =	ssyncadd.s32 @!p1 s19  }
.LBB1_1:
0x32: {  	p1 =	sge.u32 s13, s5  }
0x33: {  	s16 =	sshrl.u32 @!p1 s12, $0x3  }
0x34: {  	s17 =	sshll.u32 @!p1 s11, $0x3;
	s16 =	smul.u32 @!p1 $0x3400, s16  }
0x35: {  	s18 =	sshll.u32 @!p1 s12, $0x7;
	s17 =	sand.u32 @!p1 $0xFFFFFC00, s17  }
0x36: {  	s16 =	sadd.s32 @!p1 s16, s17;
	s17 =	sand.u32 @!p1 $0x380, s18  }
0x37: {  	s18 =	sand.u32 @!p1 $0x7F, s11;
	s16 =	sor.u32 @!p1 s17, s16  }
0x38: {  	s17 =	sor.u32 @!p1 s18, s16  }
0x39: {  	s18 =	smulhi.u32 @!p1 $0x4EC4EC4F, s17;
	_ =	sdelay $0x1  }
0x3a: {  	s16 =	smulhi.u32 @!p1 $0x4EC4EC4F, s16;
	s18 =	sshrl.u32 @!p1 s18, $0x9  }
0x3b: {  	s18 =	smul.u32 @!p1 $0x680, s18  }
0x3c: {  	s31 =	sadd.s32 $0xFFFFFFFF, s13;
	s19 =	sxor.u32 @!p1 $0xFFFFFFFF, s13;
	s16 =	sshrl.u32 @!p1 s16, $0x9  }
0x3d: {  	s19 =	sshll.u32 @!p1 s19, $0xE;
	s16 =	sand.u32 @!p1 $0x3FFF, s16;
	s17 =	ssub.s32 @!p1 s17, s18  }
0x3e: {  	s16 =	smul.u32 @!p1 $0xD0, s16;
	s18 =	sshrl.u32 @!p1 s17, $0x3;
	s17 =	sand.u32 @!p1 $0x7, s17  }
0x3f: {  	s19 =	sand.u32 @!p1 $0x4000, s19;
	s18 =	sadd.s32 @!p1 s6, s18;
	s17 =	sshll.u32 @!p1 s17, $0x12  }
0x40: {  	s16 =	sadd.s32 @!p1 s16, s18;
	s17 =	sor.u32 @!p1 $0x400, s17;
	s18 =	simm.s32 @!p1 $0x3400  }
0x41: {  	[tilespmem:s19], [sflag:$0x1] =	stream.strided.gather @!p1 [hbm4b:s16+s17], $0x4000, s18, s17, $0x38;
	[tilespmem:$0x10100] =	vst v63  }
0x42: {  	p1 =	sge.u32 s31, s5  }
.Ltmp2:
0x43: {  	_ = 	snop;
	(pc) =	sbr.rel @p1 .LBB1_5-.Ltmp2, $1  }
0x44: {  	_ =	sdelay $0x3  }
0x45: {  	s16 =	simm.s32 $0x1  }
0x46: {  	_ =	swait.ge [sflag:s4], $0x4000;
	s16 =	simm.s32 @!p0 $0x0  }
0x47: {  	[sflag:s4] =	ssyncset.done $0x0;
	s17 =	sshll.u32 s16, $0xE  }
0x48: {  	[sflag:s4] =	ssyncadd.s32 $0xFFFFC000;
	s17 =	sor.u32 $0x40, s17  }
0x49: {  	s16 =	smul.u32 $0x10200, s16;
	v0 =	vld [tilespmem:s17+$0x30]  }
0x4a: {  	v1 =	vld [tilespmem:s17+$0xFFFFFFD0]  }
0x4b: {  	s16 =	sshrl.u32 s16, $0x2;
	v5 =	vld [tilespmem:s17+$0xFFFFFFE0]  }
0x4c: {  	v6 =	vld [tilespmem:s17+$0xFFFFFFF0];
	s19 =	sor.u32 $0x8000, s16  }
0x4d: {  	s31 =	sand.u32 $0x1, s13;
	v4 =	vld [tilespmem:s17+$0x0];
	s18 =	sadd.s32 $0x0, s19  }
0x4e: {  	v3 =	vld [tilespmem:s17+$0x10];
	s16 =	smul.u32 $0x10200, s31;
	[tilespmem:s18+$0x3870 ss:$0x81] =	vst.msk $0xffff, v0  }
0x4f: {  	v2 =	vld [tilespmem:s17+$0x20];
	[tilespmem:s18+$0x810 ss:$0x81] =	vst.msk $0xffff, v1  }
0x50: {  	s16 =	sshrl.u32 s16, $0x2;
	v1 =	vld [tilespmem:s17+$0xFFFFFFC0];
	[tilespmem:s18+$0x1020 ss:$0x81] =	vst.msk $0xffff, v5;
	s17 =	sadd.s32 $0x80, s17  }
0x51: {  	s20 =	simm.s32 $0x4;
	s21 =	simm.s32 $0x8;
	s16 =	sor.u32 $0x8000, s16;
	[tilespmem:s18+$0x1830 ss:$0x81] =	vst.msk $0xffff, v6;
	v0 =	vld [tilespmem:s17+$0x30]  }
.LBB1_3:
0x52: {  	p1 =	sne.s32 s21, $0x1FC;
	v5 =	vld [tilespmem:s17+$0xFFFFFFD0];
	[tilespmem:s18+$0x2040 ss:$0x81] =	vst.msk $0xffff, v4  }
0x53: {  	v6 =	vld [tilespmem:s17+$0xFFFFFFE0];
	[tilespmem:s18+$0x2850 ss:$0x81] =	vst.msk $0xffff, v3  }
0x54: {  	s22 =	sshra.s32 s20, $0x2;
	s20 =	smov.u32 s21;
	v7 =	vld [tilespmem:s17+$0xFFFFFFF0];
	[tilespmem:s18+$0x3060 ss:$0x81] =	vst.msk $0xffff, v2  }
.Ltmp3:
0x55: {  	v4 =	vld [tilespmem:s17+$0x0];
	[tilespmem:s18+$0x0 ss:$0x81] =	vst.msk $0xffff, v1;
	s18 =	sadd.s32 s22, s19;
	(pc) =	sbr.rel @p1 .LBB1_3-.Ltmp3, $4  }
0x56: {  	v3 =	vld [tilespmem:s17+$0x10];
	[tilespmem:s18+$0x3870 ss:$0x81] =	vst.msk $0xffff, v0  }
0x57: {  	[tilespmem:s18+$0x810 ss:$0x81] =	vst.msk $0xffff, v5;
	v2 =	vld [tilespmem:s17+$0x20]  }
0x58: {  	v1 =	vld [tilespmem:s17+$0xFFFFFFC0];
	[tilespmem:s18+$0x1020 ss:$0x81] =	vst.msk $0xffff, v6;
	s17 =	sadd.s32 $0x80, s17  }
0x59: {  	s21 =	sadd.s32 $0x4, s21;
	v0 =	vld [tilespmem:s17+$0x30];
	[tilespmem:s18+$0x1830 ss:$0x81] =	vst.msk $0xffff, v7  }
.Ltmp4:
0x5a: {  	_ = 	snop;
	(pc) =	sbr.rel .LBB1_4-.Ltmp4, $1  }
0x5b: {  	_ =	sdelay $0x3  }
.LBB1_6:
0x5c: {  	_ =	sfence.sel $0x180000  }
0x5d: {  	s2 =	simm.s32 $0x1;
	[bflag:$0x0] =	sbarrier.arrive $0xFFFF  }
0x5e: {  	s31 =	simm.s32 $0x2;
	[sflag:s2] =	ssyncpa.u1 $0x1  }
0x5f: {  	[sflag:s31] =	ssyncpa.u1 $0x1  }
0x60: {  	p0 =	sne.s32 s0, $0x0;
	_ =	strace $0x9000004A  }
0x61: {  	s0 =	sadd.s32 @!p0 $0x100000, s1;
	[bflag:$0x2] =	sbarrier.arrive $0xFFFF  }
0x62: {  	[sflag:s0] =	ssyncadd.tile.s32 @!p0 $0x1;
	_ =	shalt  }
.Lfunc_end1:
_tile_overlayer_lowered:
.L_overlay_start_2:
0x63: {  	(tag) =	ssettag $0x2  }
0x64: {  	s0 =	rddreg [dreg:$0x0];
	s2 =	stileid.u32  }
0x65: {  	s1 =	rddreg [dreg:$0x1];
	p0 =	sne.s32 s2, $0x0  }
0x66: {  	s3 =	rddreg [dreg:$0x2];
	[bflag:$0x3] =	sbarrier.arrive $0xFFFF;
	s2 =	simm.s32 @!p0 $0x1C01  }
0x67: {  	[timem:s3], [sflag:s2] =	dma.local @!p0 [hbm:s0], s1  }
0x68: {  	s0 =	simm.s32 @!p0 $0x1  }
0x69: {  	_ =	swait.ge @!p0 [sflag:s0], s1  }
0x6a: {  	s1 =	ssub.s32 @!p0 $0x0, s1;
	[sflag:s0] =	ssyncset.done @!p0 $0x0  }
0x6b: {  	[sflag:s0] =	ssyncadd.s32 @!p0 s1  }
0x6c: {  	[bflag:$0x3] =	sbarrier.arrive $0xFFFF  }
0x6d: {  	_ =	shalt  }

</sc_bundles>
